<compile_context>
chip_gen: v7x
topology: tpu7x:2x2x1
jax: 0.10.2.dev20260603
libtpu: 0.0.44.dev20260713+nightly
codegen_flags: <defaults>
</compile_context>

<pallas_src>
import functools

import jax
import jax.numpy as jnp
from jax import lax
from jax.experimental import pallas as pl
from jax.experimental.pallas import tpu as pltpu
from jax.experimental.pallas import tpu_sc as plsc

_NC = 2
_NS = 16
_NW = _NC * _NS
_W = 128
_NBUF = 5
_K = 3


def kernel(tokens, weight):
    B, T = tokens.shape
    V, D = weight.shape
    N = B * T
    steps = N // (_NW * _W)
    idx = tokens.reshape(_NW, steps, _W)
    per_w = steps * _W
    mesh = plsc.VectorSubcoreMesh(core_axis_name="c", subcore_axis_name="s")

    @functools.partial(
        pl.kernel,
        out_type=jax.ShapeDtypeStruct((N, D), weight.dtype),
        mesh=mesh,
        scratch_types=[
            pltpu.VMEM((steps, _W), jnp.int32),
            pltpu.VMEM((_NBUF, _W, D), jnp.float32),
            pltpu.SemaphoreType.DMA((_NBUF,)),
            pltpu.SemaphoreType.DMA((_NBUF,)),
        ],
    )
    def gather_kernel(w_hbm, i_hbm, o_hbm, idx_v, rows_v, gsem, osem):
        wid = lax.axis_index("s") * _NC + lax.axis_index("c")
        base = wid * per_w
        pltpu.sync_copy(i_hbm.at[wid], idx_v)

        def gather(t, slot):
            return pltpu.make_async_copy(
                w_hbm.at[idx_v.at[t]], rows_v.at[slot], gsem.at[slot]
            )

        def drain(t, slot):
            return pltpu.make_async_copy(
                rows_v.at[slot], o_hbm.at[pl.ds(base + t * _W, _W)], osem.at[slot]
            )

        for t in range(_K):
            gather(t, t).start()

        @pl.loop(0, steps, step=_NBUF)
        def _(c0):
            for b in range(_NBUF):
                c = c0 + b
                gather(c, b).wait()
                drain(c, b).start()
                t2 = c + _K
                s2 = (b + _K) % _NBUF

                @pl.when(t2 < steps)
                def _():
                    @pl.when(t2 >= _NBUF)
                    def _():
                        drain(t2 - _NBUF, s2).wait()

                    gather(t2, s2).start()

        for b in range(_NBUF):
            drain(steps - _NBUF + b, b).wait()

    out = gather_kernel(weight, idx)
    return out.reshape(B, T, D)

# --- scband reference (transcript-rebuilt; emitter-appended) ---
"""Pipeline reference for scband-token-embedding-16312285790912 (READ-ONLY COPY).

The authoritative reference and input builder live on the scoring server;
editing this copy changes nothing except your own understanding.
"""

import jax, jax.numpy as jnp
import numpy as np

VOCAB = 100000
D_MODEL = 128
B = 1024
T = 200

def setup_inputs(seed: int = 0) -> dict:
    key = jax.random.key(seed)
    k_tok, k_w = jax.random.split(key)
    tokens = jax.random.randint(k_tok, (B, T), 0, VOCAB, dtype=jnp.int32)
    # lecun_normal initializer for the embedding matrix (vocab_size, d_model)
    weight = jax.nn.initializers.lecun_normal()(k_w, (VOCAB, D_MODEL), jnp.float32)
    return {"tokens": tokens, "weight": weight}

def reference(tokens, weight):
    # TokenEmbedding.__call__ with use_norm=False:
    # embeddings = jnp.take(weight.astype(dtype), tokens, axis=0)
    embeddings = jnp.take(weight.astype(jnp.float32), tokens, axis=0)
    return embeddings

if __name__ == "__main__":
    import jax
    _d = setup_inputs()
    print(jax.jit(kernel)(*tuple(_d.values())))

</pallas_src>

<mosaic_0001>
#map = affine_map<(d0, d1) -> (0, 0)>
#map1 = affine_map<(d0, d1) -> (0, 0, 0)>
module attributes {stable_mosaic.version = 14 : i64} {
  func.func @gather_kernel(%arg0: i32, %arg1: i32, %arg2: memref<100000x128xf32, #tpu.memory_space<hbm>>, %arg3: memref<32x50x128xi32, #tpu.memory_space<hbm>>, %arg4: memref<204800x128xf32, #tpu.memory_space<hbm>>, %arg5: memref<50x128xi32, #tpu.memory_space<vmem>>, %arg6: memref<5x128x128xf32, #tpu.memory_space<vmem>>, %arg7: memref<5x!tpu.dma_semaphore, #tpu.memory_space<semaphore_mem>>, %arg8: memref<5x!tpu.dma_semaphore, #tpu.memory_space<semaphore_mem>>) attributes {dimension_semantics = [#tpu.dimension_semantics<core_parallel>, #tpu.dimension_semantics<subcore_parallel>], iteration_bounds = array<i64: 2, 16>, scalar_prefetch = 0 : i64, scratch_operands = 4 : i64, tpu.core_type = #tpu.core_type<sc_vector_subcore>, window_params = [{transform_indices = #map}, {transform_indices = #map1}, {transform_indices = #map}]} {
    %mul3A = arith.constant 2 : i32
    %mul3A_0 = arith.muli %arg1, %mul3A : i32
    %add3A = arith.addi %mul3A_0, %arg0 : i32
    %mul3A_1 = arith.constant 6400 : i32
    %mul3A_2 = arith.muli %add3A, %mul3A_1 : i32
    "tpu.region"() ({
      %run_scoped3A = tpu.sem_alloc : memref<!tpu.dma_semaphore, #tpu.memory_space<semaphore_mem>>
      %dma_start3A_140 = arith.constant 0 : i32
      %dma_start3A_141 = arith.constant 0 : i32
      %dma_start3A_142 = tpu.memref_slice %arg3[%add3A, %dma_start3A_140, %dma_start3A_141] : memref<32x50x128xi32, #tpu.memory_space<hbm>> -> memref<1x50x128xi32, #tpu.memory_space<hbm>>
      %dma_start3A_143 = tpu.memref_squeeze %dma_start3A_142 : memref<1x50x128xi32, #tpu.memory_space<hbm>> -> memref<50x128xi32, #tpu.memory_space<hbm>>
      %dma_start3A_144 = arith.constant 0 : i32
      %dma_start3A_145 = arith.constant 0 : i32
      %dma_start3A_146 = tpu.memref_slice %arg3[%add3A, %dma_start3A_144, %dma_start3A_145] : memref<32x50x128xi32, #tpu.memory_space<hbm>> -> memref<1x50x128xi32, #tpu.memory_space<hbm>>
      %dma_start3A_147 = tpu.memref_squeeze %dma_start3A_146 : memref<1x50x128xi32, #tpu.memory_space<hbm>> -> memref<50x128xi32, #tpu.memory_space<hbm>>
      tpu.enqueue_dma source(%dma_start3A_147 : memref<50x128xi32, #tpu.memory_space<hbm>>) target(%arg5 : memref<50x128xi32, #tpu.memory_space<vmem>>) target_semaphore(%run_scoped3A : memref<!tpu.dma_semaphore, #tpu.memory_space<semaphore_mem>>)
      %dma_wait3A_148 = arith.constant 0 : i32
      %dma_wait3A_149 = arith.constant 0 : i32
      %dma_wait3A_150 = tpu.memref_slice %arg3[%add3A, %dma_wait3A_148, %dma_wait3A_149] : memref<32x50x128xi32, #tpu.memory_space<hbm>> -> memref<1x50x128xi32, #tpu.memory_space<hbm>>
      %dma_wait3A_151 = tpu.memref_squeeze %dma_wait3A_150 : memref<1x50x128xi32, #tpu.memory_space<hbm>> -> memref<50x128xi32, #tpu.memory_space<hbm>>
      %dma_wait3A_152 = arith.constant 0 : i32
      %dma_wait3A_153 = arith.constant 0 : i32
      %dma_wait3A_154 = tpu.memref_slice %arg3[%add3A, %dma_wait3A_152, %dma_wait3A_153] : memref<32x50x128xi32, #tpu.memory_space<hbm>> -> memref<1x50x128xi32, #tpu.memory_space<hbm>>
      %dma_wait3A_155 = tpu.memref_squeeze %dma_wait3A_154 : memref<1x50x128xi32, #tpu.memory_space<hbm>> -> memref<50x128xi32, #tpu.memory_space<hbm>>
      tpu.wait_dma2 semaphore(%run_scoped3A : memref<!tpu.dma_semaphore, #tpu.memory_space<semaphore_mem>>) src(%dma_wait3A_155 : memref<50x128xi32, #tpu.memory_space<hbm>>) dst(%arg5 : memref<50x128xi32, #tpu.memory_space<vmem>>)
      tpu.yield
    }) : () -> ()
    %dma_start3A = arith.constant 0 : i32
    %dma_start3A_3 = arith.constant 0 : i32
    %dma_start3A_4 = arith.constant 0 : i32
    %dma_start3A_5 = arith.constant 0 : i32
    %dma_start3A_6 = arith.constant 0 : i32
    %dma_start3A_7 = tpu.memref_slice %arg6[%dma_start3A_3, %dma_start3A_5, %dma_start3A_6] : memref<5x128x128xf32, #tpu.memory_space<vmem>> -> memref<1x128x128xf32, #tpu.memory_space<vmem>>
    %dma_start3A_8 = tpu.memref_squeeze %dma_start3A_7 : memref<1x128x128xf32, #tpu.memory_space<vmem>> -> memref<128x128xf32, #tpu.memory_space<vmem>>
    %dma_start3A_9 = arith.constant 0 : i32
    %dma_start3A_10 = tpu.memref_slice %arg5[%dma_start3A, %dma_start3A_9] : memref<50x128xi32, #tpu.memory_space<vmem>> -> memref<1x128xi32, #tpu.memory_space<vmem>>
    %dma_start3A_11 = tpu.memref_squeeze %dma_start3A_10 : memref<1x128xi32, #tpu.memory_space<vmem>> -> memref<128xi32, #tpu.memory_space<vmem>>
    %dma_start3A_12 = arith.constant 0 : i32
    %dma_start3A_13 = arith.constant 0 : i32
    %dma_start3A_14 = tpu.memref_slice %arg2[%dma_start3A_12, %dma_start3A_13] : memref<100000x128xf32, #tpu.memory_space<hbm>> -> memref<100000x128xf32, #tpu.memory_space<hbm>>
    %dma_start3A_15 = tpu.memref_slice %arg7[%dma_start3A_4] : memref<5x!tpu.dma_semaphore, #tpu.memory_space<semaphore_mem>> -> memref<1x!tpu.dma_semaphore, #tpu.memory_space<semaphore_mem>>
    %dma_start3A_16 = tpu.memref_squeeze %dma_start3A_15 : memref<1x!tpu.dma_semaphore, #tpu.memory_space<semaphore_mem>> -> memref<!tpu.dma_semaphore, #tpu.memory_space<semaphore_mem>>
    tpu.enqueue_indirect_dma source(%dma_start3A_14 : memref<100000x128xf32, #tpu.memory_space<hbm>>) target(%dma_start3A_8 : memref<128x128xf32, #tpu.memory_space<vmem>>) offsets(%dma_start3A_11 : memref<128xi32, #tpu.memory_space<vmem>>) semaphore(%dma_start3A_16 : memref<!tpu.dma_semaphore, #tpu.memory_space<semaphore_mem>>)
    %dma_start3A_17 = arith.constant 1 : i32
    %dma_start3A_18 = arith.constant 1 : i32
    %dma_start3A_19 = arith.constant 1 : i32
    %dma_start3A_20 = arith.constant 0 : i32
    %dma_start3A_21 = arith.constant 0 : i32
    %dma_start3A_22 = tpu.memref_slice %arg6[%dma_start3A_18, %dma_start3A_20, %dma_start3A_21] : memref<5x128x128xf32, #tpu.memory_space<vmem>> -> memref<1x128x128xf32, #tpu.memory_space<vmem>>
    %dma_start3A_23 = tpu.memref_squeeze %dma_start3A_22 : memref<1x128x128xf32, #tpu.memory_space<vmem>> -> memref<128x128xf32, #tpu.memory_space<vmem>>
    %dma_start3A_24 = arith.constant 0 : i32
    %dma_start3A_25 = tpu.memref_slice %arg5[%dma_start3A_17, %dma_start3A_24] : memref<50x128xi32, #tpu.memory_space<vmem>> -> memref<1x128xi32, #tpu.memory_space<vmem>>
    %dma_start3A_26 = tpu.memref_squeeze %dma_start3A_25 : memref<1x128xi32, #tpu.memory_space<vmem>> -> memref<128xi32, #tpu.memory_space<vmem>>
    %dma_start3A_27 = arith.constant 0 : i32
    %dma_start3A_28 = arith.constant 0 : i32
    %dma_start3A_29 = tpu.memref_slice %arg2[%dma_start3A_27, %dma_start3A_28] : memref<100000x128xf32, #tpu.memory_space<hbm>> -> memref<100000x128xf32, #tpu.memory_space<hbm>>
    %dma_start3A_30 = tpu.memref_slice %arg7[%dma_start3A_19] : memref<5x!tpu.dma_semaphore, #tpu.memory_space<semaphore_mem>> -> memref<1x!tpu.dma_semaphore, #tpu.memory_space<semaphore_mem>>
    %dma_start3A_31 = tpu.memref_squeeze %dma_start3A_30 : memref<1x!tpu.dma_semaphore, #tpu.memory_space<semaphore_mem>> -> memref<!tpu.dma_semaphore, #tpu.memory_space<semaphore_mem>>
    tpu.enqueue_indirect_dma source(%dma_start3A_29 : memref<100000x128xf32, #tpu.memory_space<hbm>>) target(%dma_start3A_23 : memref<128x128xf32, #tpu.memory_space<vmem>>) offsets(%dma_start3A_26 : memref<128xi32, #tpu.memory_space<vmem>>) semaphore(%dma_start3A_31 : memref<!tpu.dma_semaphore, #tpu.memory_space<semaphore_mem>>)
    %dma_start3A_32 = arith.constant 2 : i32
    %dma_start3A_33 = arith.constant 2 : i32
    %dma_start3A_34 = arith.constant 2 : i32
    %dma_start3A_35 = arith.constant 0 : i32
    %dma_start3A_36 = arith.constant 0 : i32
    %dma_start3A_37 = tpu.memref_slice %arg6[%dma_start3A_33, %dma_start3A_35, %dma_start3A_36] : memref<5x128x128xf32, #tpu.memory_space<vmem>> -> memref<1x128x128xf32, #tpu.memory_space<vmem>>
    %dma_start3A_38 = tpu.memref_squeeze %dma_start3A_37 : memref<1x128x128xf32, #tpu.memory_space<vmem>> -> memref<128x128xf32, #tpu.memory_space<vmem>>
    %dma_start3A_39 = arith.constant 0 : i32
    %dma_start3A_40 = tpu.memref_slice %arg5[%dma_start3A_32, %dma_start3A_39] : memref<50x128xi32, #tpu.memory_space<vmem>> -> memref<1x128xi32, #tpu.memory_space<vmem>>
    %dma_start3A_41 = tpu.memref_squeeze %dma_start3A_40 : memref<1x128xi32, #tpu.memory_space<vmem>> -> memref<128xi32, #tpu.memory_space<vmem>>
    %dma_start3A_42 = arith.constant 0 : i32
    %dma_start3A_43 = arith.constant 0 : i32
    %dma_start3A_44 = tpu.memref_slice %arg2[%dma_start3A_42, %dma_start3A_43] : memref<100000x128xf32, #tpu.memory_space<hbm>> -> memref<100000x128xf32, #tpu.memory_space<hbm>>
    %dma_start3A_45 = tpu.memref_slice %arg7[%dma_start3A_34] : memref<5x!tpu.dma_semaphore, #tpu.memory_space<semaphore_mem>> -> memref<1x!tpu.dma_semaphore, #tpu.memory_space<semaphore_mem>>
    %dma_start3A_46 = tpu.memref_squeeze %dma_start3A_45 : memref<1x!tpu.dma_semaphore, #tpu.memory_space<semaphore_mem>> -> memref<!tpu.dma_semaphore, #tpu.memory_space<semaphore_mem>>
    tpu.enqueue_indirect_dma source(%dma_start3A_44 : memref<100000x128xf32, #tpu.memory_space<hbm>>) target(%dma_start3A_38 : memref<128x128xf32, #tpu.memory_space<vmem>>) offsets(%dma_start3A_41 : memref<128xi32, #tpu.memory_space<vmem>>) semaphore(%dma_start3A_46 : memref<!tpu.dma_semaphore, #tpu.memory_space<semaphore_mem>>)
    %scan3A = arith.constant 0 : i32
    %scan3A_47 = arith.constant 10 : i32
    %scan3A_48 = arith.addi %scan3A, %scan3A_47 : i32
    %scan3A_49 = arith.constant 1 : i32
    scf.for %scan3A_140 = %scan3A to %scan3A_48 step %scan3A_49  : i32 {
      %mul3A_141 = arith.constant 5 : i32
      %mul3A_142 = arith.muli %scan3A_140, %mul3A_141 : i32
      %add3A_143 = arith.constant 0 : i32
      %add3A_144 = arith.addi %add3A_143, %mul3A_142 : i32
      %add3A_145 = arith.constant 0 : i32
      %add3A_146 = arith.addi %add3A_144, %add3A_145 : i32
      %dma_wait3A_147 = arith.constant 0 : i32
      %dma_wait3A_148 = arith.constant 0 : i32
      %dma_wait3A_149 = arith.constant 0 : i32
      %dma_wait3A_150 = arith.constant 0 : i32
      %dma_wait3A_151 = tpu.memref_slice %arg6[%dma_wait3A_147, %dma_wait3A_149, %dma_wait3A_150] : memref<5x128x128xf32, #tpu.memory_space<vmem>> -> memref<1x128x128xf32, #tpu.memory_space<vmem>>
      %dma_wait3A_152 = tpu.memref_squeeze %dma_wait3A_151 : memref<1x128x128xf32, #tpu.memory_space<vmem>> -> memref<128x128xf32, #tpu.memory_space<vmem>>
      %dma_wait3A_153 = arith.constant 0 : i32
      %dma_wait3A_154 = tpu.memref_slice %arg5[%add3A_146, %dma_wait3A_153] : memref<50x128xi32, #tpu.memory_space<vmem>> -> memref<1x128xi32, #tpu.memory_space<vmem>>
      %dma_wait3A_155 = tpu.memref_squeeze %dma_wait3A_154 : memref<1x128xi32, #tpu.memory_space<vmem>> -> memref<128xi32, #tpu.memory_space<vmem>>
      %dma_wait3A_156 = arith.constant 0 : i32
      %dma_wait3A_157 = arith.constant 0 : i32
      %dma_wait3A_158 = tpu.memref_slice %arg2[%dma_wait3A_156, %dma_wait3A_157] : memref<100000x128xf32, #tpu.memory_space<hbm>> -> memref<100000x128xf32, #tpu.memory_space<hbm>>
      %dma_wait3A_159 = tpu.memref_slice %arg7[%dma_wait3A_148] : memref<5x!tpu.dma_semaphore, #tpu.memory_space<semaphore_mem>> -> memref<1x!tpu.dma_semaphore, #tpu.memory_space<semaphore_mem>>
      %dma_wait3A_160 = tpu.memref_squeeze %dma_wait3A_159 : memref<1x!tpu.dma_semaphore, #tpu.memory_space<semaphore_mem>> -> memref<!tpu.dma_semaphore, #tpu.memory_space<semaphore_mem>>
      tpu.wait_indirect_dma semaphore(%dma_wait3A_160 : memref<!tpu.dma_semaphore, #tpu.memory_space<semaphore_mem>>) src(%dma_wait3A_158 : memref<100000x128xf32, #tpu.memory_space<hbm>>) dst(%dma_wait3A_152 : memref<128x128xf32, #tpu.memory_space<vmem>>)
      %mul3A_161 = arith.constant 128 : i32
      %mul3A_162 = arith.muli %add3A_146, %mul3A_161 : i32
      %add3A_163 = arith.addi %mul3A_2, %mul3A_162 : i32
      %dma_start3A_164 = arith.constant 0 : i32
      %dma_start3A_165 = arith.constant 0 : i32
      %dma_start3A_166 = arith.constant 0 : i32
      %dma_start3A_167 = arith.constant 0 : i32
      %dma_start3A_168 = tpu.memref_slice %arg6[%dma_start3A_164, %dma_start3A_166, %dma_start3A_167] : memref<5x128x128xf32, #tpu.memory_space<vmem>> -> memref<1x128x128xf32, #tpu.memory_space<vmem>>
      %dma_start3A_169 = tpu.memref_squeeze %dma_start3A_168 : memref<1x128x128xf32, #tpu.memory_space<vmem>> -> memref<128x128xf32, #tpu.memory_space<vmem>>
      %dma_start3A_170 = arith.constant 0 : i32
      %dma_start3A_171 = tpu.memref_slice %arg4[%add3A_163, %dma_start3A_170] : memref<204800x128xf32, #tpu.memory_space<hbm>> -> memref<128x128xf32, #tpu.memory_space<hbm>>
      %dma_start3A_172 = tpu.memref_slice %arg8[%dma_start3A_165] : memref<5x!tpu.dma_semaphore, #tpu.memory_space<semaphore_mem>> -> memref<1x!tpu.dma_semaphore, #tpu.memory_space<semaphore_mem>>
      %dma_start3A_173 = tpu.memref_squeeze %dma_start3A_172 : memref<1x!tpu.dma_semaphore, #tpu.memory_space<semaphore_mem>> -> memref<!tpu.dma_semaphore, #tpu.memory_space<semaphore_mem>>
      %dma_start3A_174 = arith.constant 0 : i32
      %dma_start3A_175 = tpu.memref_slice %arg4[%add3A_163, %dma_start3A_174] : memref<204800x128xf32, #tpu.memory_space<hbm>> -> memref<128x128xf32, #tpu.memory_space<hbm>>
      %dma_start3A_176 = arith.constant 0 : i32
      %dma_start3A_177 = arith.constant 0 : i32
      %dma_start3A_178 = tpu.memref_slice %arg6[%dma_start3A_164, %dma_start3A_176, %dma_start3A_177] : memref<5x128x128xf32, #tpu.memory_space<vmem>> -> memref<1x128x128xf32, #tpu.memory_space<vmem>>
      %dma_start3A_179 = tpu.memref_squeeze %dma_start3A_178 : memref<1x128x128xf32, #tpu.memory_space<vmem>> -> memref<128x128xf32, #tpu.memory_space<vmem>>
      tpu.enqueue_dma source(%dma_start3A_179 : memref<128x128xf32, #tpu.memory_space<vmem>>) target(%dma_start3A_175 : memref<128x128xf32, #tpu.memory_space<hbm>>) target_semaphore(%dma_start3A_173 : memref<!tpu.dma_semaphore, #tpu.memory_space<semaphore_mem>>)
      %add3A_180 = arith.constant 3 : i32
      %add3A_181 = arith.addi %add3A_146, %add3A_180 : i32
      %lt3A = arith.constant 50 : i32
      %lt3A_182 = arith.cmpi slt, %add3A_181, %lt3A : i32
      %convert_element_type3A = arith.extui %lt3A_182 : i1 to i32
      %cond3A = arith.constant 0 : i32
      %cond3A_183 = arith.cmpi ne, %convert_element_type3A, %cond3A : i32
      scf.if %cond3A_183 {
        %ge3A = arith.constant 5 : i32
        %ge3A_352 = arith.cmpi sge, %add3A_181, %ge3A : i32
        %convert_element_type3A_353 = arith.extui %ge3A_352 : i1 to i32
        %cond3A_354 = arith.constant 0 : i32
        %cond3A_355 = arith.cmpi ne, %convert_element_type3A_353, %cond3A_354 : i32
        scf.if %cond3A_355 {
          %sub3A = arith.constant 5 : i32
          %sub3A_370 = arith.subi %add3A_181, %sub3A : i32
          %mul3A_371 = arith.constant 128 : i32
          %mul3A_372 = arith.muli %sub3A_370, %mul3A_371 : i32
          %add3A_373 = arith.addi %mul3A_2, %mul3A_372 : i32
          %dma_wait3A_374 = arith.constant 3 : i32
          %dma_wait3A_375 = arith.constant 3 : i32
          %dma_wait3A_376 = arith.constant 0 : i32
          %dma_wait3A_377 = arith.constant 0 : i32
          %dma_wait3A_378 = tpu.memref_slice %arg6[%dma_wait3A_374, %dma_wait3A_376, %dma_wait3A_377] : memref<5x128x128xf32, #tpu.memory_space<vmem>> -> memref<1x128x128xf32, #tpu.memory_space<vmem>>
          %dma_wait3A_379 = tpu.memref_squeeze %dma_wait3A_378 : memref<1x128x128xf32, #tpu.memory_space<vmem>> -> memref<128x128xf32, #tpu.memory_space<vmem>>
          %dma_wait3A_380 = arith.constant 0 : i32
          %dma_wait3A_381 = tpu.memref_slice %arg4[%add3A_373, %dma_wait3A_380] : memref<204800x128xf32, #tpu.memory_space<hbm>> -> memref<128x128xf32, #tpu.memory_space<hbm>>
          %dma_wait3A_382 = tpu.memref_slice %arg8[%dma_wait3A_375] : memref<5x!tpu.dma_semaphore, #tpu.memory_space<semaphore_mem>> -> memref<1x!tpu.dma_semaphore, #tpu.memory_space<semaphore_mem>>
          %dma_wait3A_383 = tpu.memref_squeeze %dma_wait3A_382 : memref<1x!tpu.dma_semaphore, #tpu.memory_space<semaphore_mem>> -> memref<!tpu.dma_semaphore, #tpu.memory_space<semaphore_mem>>
          %dma_wait3A_384 = arith.constant 0 : i32
          %dma_wait3A_385 = tpu.memref_slice %arg4[%add3A_373, %dma_wait3A_384] : memref<204800x128xf32, #tpu.memory_space<hbm>> -> memref<128x128xf32, #tpu.memory_space<hbm>>
          %dma_wait3A_386 = arith.constant 0 : i32
          %dma_wait3A_387 = arith.constant 0 : i32
          %dma_wait3A_388 = tpu.memref_slice %arg6[%dma_wait3A_374, %dma_wait3A_386, %dma_wait3A_387] : memref<5x128x128xf32, #tpu.memory_space<vmem>> -> memref<1x128x128xf32, #tpu.memory_space<vmem>>
          %dma_wait3A_389 = tpu.memref_squeeze %dma_wait3A_388 : memref<1x128x128xf32, #tpu.memory_space<vmem>> -> memref<128x128xf32, #tpu.memory_space<vmem>>
          tpu.wait_dma2 semaphore(%dma_wait3A_383 : memref<!tpu.dma_semaphore, #tpu.memory_space<semaphore_mem>>) src(%dma_wait3A_389 : memref<128x128xf32, #tpu.memory_space<vmem>>) dst(%dma_wait3A_385 : memref<128x128xf32, #tpu.memory_space<hbm>>)
        } else {
        }
        %dma_start3A_356 = arith.constant 3 : i32
        %dma_start3A_357 = arith.constant 3 : i32
        %dma_start3A_358 = arith.constant 0 : i32
        %dma_start3A_359 = arith.constant 0 : i32
        %dma_start3A_360 = tpu.memref_slice %arg6[%dma_start3A_356, %dma_start3A_358, %dma_start3A_359] : memref<5x128x128xf32, #tpu.memory_space<vmem>> -> memref<1x128x128xf32, #tpu.memory_space<vmem>>
        %dma_start3A_361 = tpu.memref_squeeze %dma_start3A_360 : memref<1x128x128xf32, #tpu.memory_space<vmem>> -> memref<128x128xf32, #tpu.memory_space<vmem>>
        %dma_start3A_362 = arith.constant 0 : i32
        %dma_start3A_363 = tpu.memref_slice %arg5[%add3A_181, %dma_start3A_362] : memref<50x128xi32, #tpu.memory_space<vmem>> -> memref<1x128xi32, #tpu.memory_space<vmem>>
        %dma_start3A_364 = tpu.memref_squeeze %dma_start3A_363 : memref<1x128xi32, #tpu.memory_space<vmem>> -> memref<128xi32, #tpu.memory_space<vmem>>
        %dma_start3A_365 = arith.constant 0 : i32
        %dma_start3A_366 = arith.constant 0 : i32
        %dma_start3A_367 = tpu.memref_slice %arg2[%dma_start3A_365, %dma_start3A_366] : memref<100000x128xf32, #tpu.memory_space<hbm>> -> memref<100000x128xf32, #tpu.memory_space<hbm>>
        %dma_start3A_368 = tpu.memref_slice %arg7[%dma_start3A_357] : memref<5x!tpu.dma_semaphore, #tpu.memory_space<semaphore_mem>> -> memref<1x!tpu.dma_semaphore, #tpu.memory_space<semaphore_mem>>
        %dma_start3A_369 = tpu.memref_squeeze %dma_start3A_368 : memref<1x!tpu.dma_semaphore, #tpu.memory_space<semaphore_mem>> -> memref<!tpu.dma_semaphore, #tpu.memory_space<semaphore_mem>>
        tpu.enqueue_indirect_dma source(%dma_start3A_367 : memref<100000x128xf32, #tpu.memory_space<hbm>>) target(%dma_start3A_361 : memref<128x128xf32, #tpu.memory_space<vmem>>) offsets(%dma_start3A_364 : memref<128xi32, #tpu.memory_space<vmem>>) semaphore(%dma_start3A_369 : memref<!tpu.dma_semaphore, #tpu.memory_space<semaphore_mem>>)
      } else {
      }
      %add3A_184 = arith.constant 1 : i32
      %add3A_185 = arith.addi %add3A_144, %add3A_184 : i32
      %dma_wait3A_186 = arith.constant 1 : i32
      %dma_wait3A_187 = arith.constant 1 : i32
      %dma_wait3A_188 = arith.constant 0 : i32
      %dma_wait3A_189 = arith.constant 0 : i32
      %dma_wait3A_190 = tpu.memref_slice %arg6[%dma_wait3A_186, %dma_wait3A_188, %dma_wait3A_189] : memref<5x128x128xf32, #tpu.memory_space<vmem>> -> memref<1x128x128xf32, #tpu.memory_space<vmem>>
      %dma_wait3A_191 = tpu.memref_squeeze %dma_wait3A_190 : memref<1x128x128xf32, #tpu.memory_space<vmem>> -> memref<128x128xf32, #tpu.memory_space<vmem>>
      %dma_wait3A_192 = arith.constant 0 : i32
      %dma_wait3A_193 = tpu.memref_slice %arg5[%add3A_185, %dma_wait3A_192] : memref<50x128xi32, #tpu.memory_space<vmem>> -> memref<1x128xi32, #tpu.memory_space<vmem>>
      %dma_wait3A_194 = tpu.memref_squeeze %dma_wait3A_193 : memref<1x128xi32, #tpu.memory_space<vmem>> -> memref<128xi32, #tpu.memory_space<vmem>>
      %dma_wait3A_195 = arith.constant 0 : i32
      %dma_wait3A_196 = arith.constant 0 : i32
      %dma_wait3A_197 = tpu.memref_slice %arg2[%dma_wait3A_195, %dma_wait3A_196] : memref<100000x128xf32, #tpu.memory_space<hbm>> -> memref<100000x128xf32, #tpu.memory_space<hbm>>
      %dma_wait3A_198 = tpu.memref_slice %arg7[%dma_wait3A_187] : memref<5x!tpu.dma_semaphore, #tpu.memory_space<semaphore_mem>> -> memref<1x!tpu.dma_semaphore, #tpu.memory_space<semaphore_mem>>
      %dma_wait3A_199 = tpu.memref_squeeze %dma_wait3A_198 : memref<1x!tpu.dma_semaphore, #tpu.memory_space<semaphore_mem>> -> memref<!tpu.dma_semaphore, #tpu.memory_space<semaphore_mem>>
      tpu.wait_indirect_dma semaphore(%dma_wait3A_199 : memref<!tpu.dma_semaphore, #tpu.memory_space<semaphore_mem>>) src(%dma_wait3A_197 : memref<100000x128xf32, #tpu.memory_space<hbm>>) dst(%dma_wait3A_191 : memref<128x128xf32, #tpu.memory_space<vmem>>)
      %mul3A_200 = arith.constant 128 : i32
      %mul3A_201 = arith.muli %add3A_185, %mul3A_200 : i32
      %add3A_202 = arith.addi %mul3A_2, %mul3A_201 : i32
      %dma_start3A_203 = arith.constant 1 : i32
      %dma_start3A_204 = arith.constant 1 : i32
      %dma_start3A_205 = arith.constant 0 : i32
      %dma_start3A_206 = arith.constant 0 : i32
      %dma_start3A_207 = tpu.memref_slice %arg6[%dma_start3A_203, %dma_start3A_205, %dma_start3A_206] : memref<5x128x128xf32, #tpu.memory_space<vmem>> -> memref<1x128x128xf32, #tpu.memory_space<vmem>>
      %dma_start3A_208 = tpu.memref_squeeze %dma_start3A_207 : memref<1x128x128xf32, #tpu.memory_space<vmem>> -> memref<128x128xf32, #tpu.memory_space<vmem>>
      %dma_start3A_209 = arith.constant 0 : i32
      %dma_start3A_210 = tpu.memref_slice %arg4[%add3A_202, %dma_start3A_209] : memref<204800x128xf32, #tpu.memory_space<hbm>> -> memref<128x128xf32, #tpu.memory_space<hbm>>
      %dma_start3A_211 = tpu.memref_slice %arg8[%dma_start3A_204] : memref<5x!tpu.dma_semaphore, #tpu.memory_space<semaphore_mem>> -> memref<1x!tpu.dma_semaphore, #tpu.memory_space<semaphore_mem>>
      %dma_start3A_212 = tpu.memref_squeeze %dma_start3A_211 : memref<1x!tpu.dma_semaphore, #tpu.memory_space<semaphore_mem>> -> memref<!tpu.dma_semaphore, #tpu.memory_space<semaphore_mem>>
      %dma_start3A_213 = arith.constant 0 : i32
      %dma_start3A_214 = tpu.memref_slice %arg4[%add3A_202, %dma_start3A_213] : memref<204800x128xf32, #tpu.memory_space<hbm>> -> memref<128x128xf32, #tpu.memory_space<hbm>>
      %dma_start3A_215 = arith.constant 0 : i32
      %dma_start3A_216 = arith.constant 0 : i32
      %dma_start3A_217 = tpu.memref_slice %arg6[%dma_start3A_203, %dma_start3A_215, %dma_start3A_216] : memref<5x128x128xf32, #tpu.memory_space<vmem>> -> memref<1x128x128xf32, #tpu.memory_space<vmem>>
      %dma_start3A_218 = tpu.memref_squeeze %dma_start3A_217 : memref<1x128x128xf32, #tpu.memory_space<vmem>> -> memref<128x128xf32, #tpu.memory_space<vmem>>
      tpu.enqueue_dma source(%dma_start3A_218 : memref<128x128xf32, #tpu.memory_space<vmem>>) target(%dma_start3A_214 : memref<128x128xf32, #tpu.memory_space<hbm>>) target_semaphore(%dma_start3A_212 : memref<!tpu.dma_semaphore, #tpu.memory_space<semaphore_mem>>)
      %add3A_219 = arith.constant 3 : i32
      %add3A_220 = arith.addi %add3A_185, %add3A_219 : i32
      %lt3A_221 = arith.constant 50 : i32
      %lt3A_222 = arith.cmpi slt, %add3A_220, %lt3A_221 : i32
      %convert_element_type3A_223 = arith.extui %lt3A_222 : i1 to i32
      %cond3A_224 = arith.constant 0 : i32
      %cond3A_225 = arith.cmpi ne, %convert_element_type3A_223, %cond3A_224 : i32
      scf.if %cond3A_225 {
        %ge3A = arith.constant 5 : i32
        %ge3A_352 = arith.cmpi sge, %add3A_220, %ge3A : i32
        %convert_element_type3A_353 = arith.extui %ge3A_352 : i1 to i32
        %cond3A_354 = arith.constant 0 : i32
        %cond3A_355 = arith.cmpi ne, %convert_element_type3A_353, %cond3A_354 : i32
        scf.if %cond3A_355 {
          %sub3A = arith.constant 5 : i32
          %sub3A_370 = arith.subi %add3A_220, %sub3A : i32
          %mul3A_371 = arith.constant 128 : i32
          %mul3A_372 = arith.muli %sub3A_370, %mul3A_371 : i32
          %add3A_373 = arith.addi %mul3A_2, %mul3A_372 : i32
          %dma_wait3A_374 = arith.constant 4 : i32
          %dma_wait3A_375 = arith.constant 4 : i32
          %dma_wait3A_376 = arith.constant 0 : i32
          %dma_wait3A_377 = arith.constant 0 : i32
          %dma_wait3A_378 = tpu.memref_slice %arg6[%dma_wait3A_374, %dma_wait3A_376, %dma_wait3A_377] : memref<5x128x128xf32, #tpu.memory_space<vmem>> -> memref<1x128x128xf32, #tpu.memory_space<vmem>>
          %dma_wait3A_379 = tpu.memref_squeeze %dma_wait3A_378 : memref<1x128x128xf32, #tpu.memory_space<vmem>> -> memref<128x128xf32, #tpu.memory_space<vmem>>
          %dma_wait3A_380 = arith.constant 0 : i32
          %dma_wait3A_381 = tpu.memref_slice %arg4[%add3A_373, %dma_wait3A_380] : memref<204800x128xf32, #tpu.memory_space<hbm>> -> memref<128x128xf32, #tpu.memory_space<hbm>>
          %dma_wait3A_382 = tpu.memref_slice %arg8[%dma_wait3A_375] : memref<5x!tpu.dma_semaphore, #tpu.memory_space<semaphore_mem>> -> memref<1x!tpu.dma_semaphore, #tpu.memory_space<semaphore_mem>>
          %dma_wait3A_383 = tpu.memref_squeeze %dma_wait3A_382 : memref<1x!tpu.dma_semaphore, #tpu.memory_space<semaphore_mem>> -> memref<!tpu.dma_semaphore, #tpu.memory_space<semaphore_mem>>
          %dma_wait3A_384 = arith.constant 0 : i32
          %dma_wait3A_385 = tpu.memref_slice %arg4[%add3A_373, %dma_wait3A_384] : memref<204800x128xf32, #tpu.memory_space<hbm>> -> memref<128x128xf32, #tpu.memory_space<hbm>>
          %dma_wait3A_386 = arith.constant 0 : i32
          %dma_wait3A_387 = arith.constant 0 : i32
          %dma_wait3A_388 = tpu.memref_slice %arg6[%dma_wait3A_374, %dma_wait3A_386, %dma_wait3A_387] : memref<5x128x128xf32, #tpu.memory_space<vmem>> -> memref<1x128x128xf32, #tpu.memory_space<vmem>>
          %dma_wait3A_389 = tpu.memref_squeeze %dma_wait3A_388 : memref<1x128x128xf32, #tpu.memory_space<vmem>> -> memref<128x128xf32, #tpu.memory_space<vmem>>
          tpu.wait_dma2 semaphore(%dma_wait3A_383 : memref<!tpu.dma_semaphore, #tpu.memory_space<semaphore_mem>>) src(%dma_wait3A_389 : memref<128x128xf32, #tpu.memory_space<vmem>>) dst(%dma_wait3A_385 : memref<128x128xf32, #tpu.memory_space<hbm>>)
        } else {
        }
        %dma_start3A_356 = arith.constant 4 : i32
        %dma_start3A_357 = arith.constant 4 : i32
        %dma_start3A_358 = arith.constant 0 : i32
        %dma_start3A_359 = arith.constant 0 : i32
        %dma_start3A_360 = tpu.memref_slice %arg6[%dma_start3A_356, %dma_start3A_358, %dma_start3A_359] : memref<5x128x128xf32, #tpu.memory_space<vmem>> -> memref<1x128x128xf32, #tpu.memory_space<vmem>>
        %dma_start3A_361 = tpu.memref_squeeze %dma_start3A_360 : memref<1x128x128xf32, #tpu.memory_space<vmem>> -> memref<128x128xf32, #tpu.memory_space<vmem>>
        %dma_start3A_362 = arith.constant 0 : i32
        %dma_start3A_363 = tpu.memref_slice %arg5[%add3A_220, %dma_start3A_362] : memref<50x128xi32, #tpu.memory_space<vmem>> -> memref<1x128xi32, #tpu.memory_space<vmem>>
        %dma_start3A_364 = tpu.memref_squeeze %dma_start3A_363 : memref<1x128xi32, #tpu.memory_space<vmem>> -> memref<128xi32, #tpu.memory_space<vmem>>
        %dma_start3A_365 = arith.constant 0 : i32
        %dma_start3A_366 = arith.constant 0 : i32
        %dma_start3A_367 = tpu.memref_slice %arg2[%dma_start3A_365, %dma_start3A_366] : memref<100000x128xf32, #tpu.memory_space<hbm>> -> memref<100000x128xf32, #tpu.memory_space<hbm>>
        %dma_start3A_368 = tpu.memref_slice %arg7[%dma_start3A_357] : memref<5x!tpu.dma_semaphore, #tpu.memory_space<semaphore_mem>> -> memref<1x!tpu.dma_semaphore, #tpu.memory_space<semaphore_mem>>
        %dma_start3A_369 = tpu.memref_squeeze %dma_start3A_368 : memref<1x!tpu.dma_semaphore, #tpu.memory_space<semaphore_mem>> -> memref<!tpu.dma_semaphore, #tpu.memory_space<semaphore_mem>>
        tpu.enqueue_indirect_dma source(%dma_start3A_367 : memref<100000x128xf32, #tpu.memory_space<hbm>>) target(%dma_start3A_361 : memref<128x128xf32, #tpu.memory_space<vmem>>) offsets(%dma_start3A_364 : memref<128xi32, #tpu.memory_space<vmem>>) semaphore(%dma_start3A_369 : memref<!tpu.dma_semaphore, #tpu.memory_space<semaphore_mem>>)
      } else {
      }
      %add3A_226 = arith.constant 2 : i32
      %add3A_227 = arith.addi %add3A_144, %add3A_226 : i32
      %dma_wait3A_228 = arith.constant 2 : i32
      %dma_wait3A_229 = arith.constant 2 : i32
      %dma_wait3A_230 = arith.constant 0 : i32
      %dma_wait3A_231 = arith.constant 0 : i32
      %dma_wait3A_232 = tpu.memref_slice %arg6[%dma_wait3A_228, %dma_wait3A_230, %dma_wait3A_231] : memref<5x128x128xf32, #tpu.memory_space<vmem>> -> memref<1x128x128xf32, #tpu.memory_space<vmem>>
      %dma_wait3A_233 = tpu.memref_squeeze %dma_wait3A_232 : memref<1x128x128xf32, #tpu.memory_space<vmem>> -> memref<128x128xf32, #tpu.memory_space<vmem>>
      %dma_wait3A_234 = arith.constant 0 : i32
      %dma_wait3A_235 = tpu.memref_slice %arg5[%add3A_227, %dma_wait3A_234] : memref<50x128xi32, #tpu.memory_space<vmem>> -> memref<1x128xi32, #tpu.memory_space<vmem>>
      %dma_wait3A_236 = tpu.memref_squeeze %dma_wait3A_235 : memref<1x128xi32, #tpu.memory_space<vmem>> -> memref<128xi32, #tpu.memory_space<vmem>>
      %dma_wait3A_237 = arith.constant 0 : i32
      %dma_wait3A_238 = arith.constant 0 : i32
      %dma_wait3A_239 = tpu.memref_slice %arg2[%dma_wait3A_237, %dma_wait3A_238] : memref<100000x128xf32, #tpu.memory_space<hbm>> -> memref<100000x128xf32, #tpu.memory_space<hbm>>
      %dma_wait3A_240 = tpu.memref_slice %arg7[%dma_wait3A_229] : memref<5x!tpu.dma_semaphore, #tpu.memory_space<semaphore_mem>> -> memref<1x!tpu.dma_semaphore, #tpu.memory_space<semaphore_mem>>
      %dma_wait3A_241 = tpu.memref_squeeze %dma_wait3A_240 : memref<1x!tpu.dma_semaphore, #tpu.memory_space<semaphore_mem>> -> memref<!tpu.dma_semaphore, #tpu.memory_space<semaphore_mem>>
      tpu.wait_indirect_dma semaphore(%dma_wait3A_241 : memref<!tpu.dma_semaphore, #tpu.memory_space<semaphore_mem>>) src(%dma_wait3A_239 : memref<100000x128xf32, #tpu.memory_space<hbm>>) dst(%dma_wait3A_233 : memref<128x128xf32, #tpu.memory_space<vmem>>)
      %mul3A_242 = arith.constant 128 : i32
      %mul3A_243 = arith.muli %add3A_227, %mul3A_242 : i32
      %add3A_244 = arith.addi %mul3A_2, %mul3A_243 : i32
      %dma_start3A_245 = arith.constant 2 : i32
      %dma_start3A_246 = arith.constant 2 : i32
      %dma_start3A_247 = arith.constant 0 : i32
      %dma_start3A_248 = arith.constant 0 : i32
      %dma_start3A_249 = tpu.memref_slice %arg6[%dma_start3A_245, %dma_start3A_247, %dma_start3A_248] : memref<5x128x128xf32, #tpu.memory_space<vmem>> -> memref<1x128x128xf32, #tpu.memory_space<vmem>>
      %dma_start3A_250 = tpu.memref_squeeze %dma_start3A_249 : memref<1x128x128xf32, #tpu.memory_space<vmem>> -> memref<128x128xf32, #tpu.memory_space<vmem>>
      %dma_start3A_251 = arith.constant 0 : i32
      %dma_start3A_252 = tpu.memref_slice %arg4[%add3A_244, %dma_start3A_251] : memref<204800x128xf32, #tpu.memory_space<hbm>> -> memref<128x128xf32, #tpu.memory_space<hbm>>
      %dma_start3A_253 = tpu.memref_slice %arg8[%dma_start3A_246] : memref<5x!tpu.dma_semaphore, #tpu.memory_space<semaphore_mem>> -> memref<1x!tpu.dma_semaphore, #tpu.memory_space<semaphore_mem>>
      %dma_start3A_254 = tpu.memref_squeeze %dma_start3A_253 : memref<1x!tpu.dma_semaphore, #tpu.memory_space<semaphore_mem>> -> memref<!tpu.dma_semaphore, #tpu.memory_space<semaphore_mem>>
      %dma_start3A_255 = arith.constant 0 : i32
      %dma_start3A_256 = tpu.memref_slice %arg4[%add3A_244, %dma_start3A_255] : memref<204800x128xf32, #tpu.memory_space<hbm>> -> memref<128x128xf32, #tpu.memory_space<hbm>>
      %dma_start3A_257 = arith.constant 0 : i32
      %dma_start3A_258 = arith.constant 0 : i32
      %dma_start3A_259 = tpu.memref_slice %arg6[%dma_start3A_245, %dma_start3A_257, %dma_start3A_258] : memref<5x128x128xf32, #tpu.memory_space<vmem>> -> memref<1x128x128xf32, #tpu.memory_space<vmem>>
      %dma_start3A_260 = tpu.memref_squeeze %dma_start3A_259 : memref<1x128x128xf32, #tpu.memory_space<vmem>> -> memref<128x128xf32, #tpu.memory_space<vmem>>
      tpu.enqueue_dma source(%dma_start3A_260 : memref<128x128xf32, #tpu.memory_space<vmem>>) target(%dma_start3A_256 : memref<128x128xf32, #tpu.memory_space<hbm>>) target_semaphore(%dma_start3A_254 : memref<!tpu.dma_semaphore, #tpu.memory_space<semaphore_mem>>)
      %add3A_261 = arith.constant 3 : i32
      %add3A_262 = arith.addi %add3A_227, %add3A_261 : i32
      %lt3A_263 = arith.constant 50 : i32
      %lt3A_264 = arith.cmpi slt, %add3A_262, %lt3A_263 : i32
      %convert_element_type3A_265 = arith.extui %lt3A_264 : i1 to i32
      %cond3A_266 = arith.constant 0 : i32
      %cond3A_267 = arith.cmpi ne, %convert_element_type3A_265, %cond3A_266 : i32
      scf.if %cond3A_267 {
        %ge3A = arith.constant 5 : i32
        %ge3A_352 = arith.cmpi sge, %add3A_262, %ge3A : i32
        %convert_element_type3A_353 = arith.extui %ge3A_352 : i1 to i32
        %cond3A_354 = arith.constant 0 : i32
        %cond3A_355 = arith.cmpi ne, %convert_element_type3A_353, %cond3A_354 : i32
        scf.if %cond3A_355 {
          %sub3A = arith.constant 5 : i32
          %sub3A_370 = arith.subi %add3A_262, %sub3A : i32
          %mul3A_371 = arith.constant 128 : i32
          %mul3A_372 = arith.muli %sub3A_370, %mul3A_371 : i32
          %add3A_373 = arith.addi %mul3A_2, %mul3A_372 : i32
          %dma_wait3A_374 = arith.constant 0 : i32
          %dma_wait3A_375 = arith.constant 0 : i32
          %dma_wait3A_376 = arith.constant 0 : i32
          %dma_wait3A_377 = arith.constant 0 : i32
          %dma_wait3A_378 = tpu.memref_slice %arg6[%dma_wait3A_374, %dma_wait3A_376, %dma_wait3A_377] : memref<5x128x128xf32, #tpu.memory_space<vmem>> -> memref<1x128x128xf32, #tpu.memory_space<vmem>>
          %dma_wait3A_379 = tpu.memref_squeeze %dma_wait3A_378 : memref<1x128x128xf32, #tpu.memory_space<vmem>> -> memref<128x128xf32, #tpu.memory_space<vmem>>
          %dma_wait3A_380 = arith.constant 0 : i32
          %dma_wait3A_381 = tpu.memref_slice %arg4[%add3A_373, %dma_wait3A_380] : memref<204800x128xf32, #tpu.memory_space<hbm>> -> memref<128x128xf32, #tpu.memory_space<hbm>>
          %dma_wait3A_382 = tpu.memref_slice %arg8[%dma_wait3A_375] : memref<5x!tpu.dma_semaphore, #tpu.memory_space<semaphore_mem>> -> memref<1x!tpu.dma_semaphore, #tpu.memory_space<semaphore_mem>>
          %dma_wait3A_383 = tpu.memref_squeeze %dma_wait3A_382 : memref<1x!tpu.dma_semaphore, #tpu.memory_space<semaphore_mem>> -> memref<!tpu.dma_semaphore, #tpu.memory_space<semaphore_mem>>
          %dma_wait3A_384 = arith.constant 0 : i32
          %dma_wait3A_385 = tpu.memref_slice %arg4[%add3A_373, %dma_wait3A_384] : memref<204800x128xf32, #tpu.memory_space<hbm>> -> memref<128x128xf32, #tpu.memory_space<hbm>>
          %dma_wait3A_386 = arith.constant 0 : i32
          %dma_wait3A_387 = arith.constant 0 : i32
          %dma_wait3A_388 = tpu.memref_slice %arg6[%dma_wait3A_374, %dma_wait3A_386, %dma_wait3A_387] : memref<5x128x128xf32, #tpu.memory_space<vmem>> -> memref<1x128x128xf32, #tpu.memory_space<vmem>>
          %dma_wait3A_389 = tpu.memref_squeeze %dma_wait3A_388 : memref<1x128x128xf32, #tpu.memory_space<vmem>> -> memref<128x128xf32, #tpu.memory_space<vmem>>
          tpu.wait_dma2 semaphore(%dma_wait3A_383 : memref<!tpu.dma_semaphore, #tpu.memory_space<semaphore_mem>>) src(%dma_wait3A_389 : memref<128x128xf32, #tpu.memory_space<vmem>>) dst(%dma_wait3A_385 : memref<128x128xf32, #tpu.memory_space<hbm>>)
        } else {
        }
        %dma_start3A_356 = arith.constant 0 : i32
        %dma_start3A_357 = arith.constant 0 : i32
        %dma_start3A_358 = arith.constant 0 : i32
        %dma_start3A_359 = arith.constant 0 : i32
        %dma_start3A_360 = tpu.memref_slice %arg6[%dma_start3A_356, %dma_start3A_358, %dma_start3A_359] : memref<5x128x128xf32, #tpu.memory_space<vmem>> -> memref<1x128x128xf32, #tpu.memory_space<vmem>>
        %dma_start3A_361 = tpu.memref_squeeze %dma_start3A_360 : memref<1x128x128xf32, #tpu.memory_space<vmem>> -> memref<128x128xf32, #tpu.memory_space<vmem>>
        %dma_start3A_362 = arith.constant 0 : i32
        %dma_start3A_363 = tpu.memref_slice %arg5[%add3A_262, %dma_start3A_362] : memref<50x128xi32, #tpu.memory_space<vmem>> -> memref<1x128xi32, #tpu.memory_space<vmem>>
        %dma_start3A_364 = tpu.memref_squeeze %dma_start3A_363 : memref<1x128xi32, #tpu.memory_space<vmem>> -> memref<128xi32, #tpu.memory_space<vmem>>
        %dma_start3A_365 = arith.constant 0 : i32
        %dma_start3A_366 = arith.constant 0 : i32
        %dma_start3A_367 = tpu.memref_slice %arg2[%dma_start3A_365, %dma_start3A_366] : memref<100000x128xf32, #tpu.memory_space<hbm>> -> memref<100000x128xf32, #tpu.memory_space<hbm>>
        %dma_start3A_368 = tpu.memref_slice %arg7[%dma_start3A_357] : memref<5x!tpu.dma_semaphore, #tpu.memory_space<semaphore_mem>> -> memref<1x!tpu.dma_semaphore, #tpu.memory_space<semaphore_mem>>
        %dma_start3A_369 = tpu.memref_squeeze %dma_start3A_368 : memref<1x!tpu.dma_semaphore, #tpu.memory_space<semaphore_mem>> -> memref<!tpu.dma_semaphore, #tpu.memory_space<semaphore_mem>>
        tpu.enqueue_indirect_dma source(%dma_start3A_367 : memref<100000x128xf32, #tpu.memory_space<hbm>>) target(%dma_start3A_361 : memref<128x128xf32, #tpu.memory_space<vmem>>) offsets(%dma_start3A_364 : memref<128xi32, #tpu.memory_space<vmem>>) semaphore(%dma_start3A_369 : memref<!tpu.dma_semaphore, #tpu.memory_space<semaphore_mem>>)
      } else {
      }
      %add3A_268 = arith.constant 3 : i32
      %add3A_269 = arith.addi %add3A_144, %add3A_268 : i32
      %dma_wait3A_270 = arith.constant 3 : i32
      %dma_wait3A_271 = arith.constant 3 : i32
      %dma_wait3A_272 = arith.constant 0 : i32
      %dma_wait3A_273 = arith.constant 0 : i32
      %dma_wait3A_274 = tpu.memref_slice %arg6[%dma_wait3A_270, %dma_wait3A_272, %dma_wait3A_273] : memref<5x128x128xf32, #tpu.memory_space<vmem>> -> memref<1x128x128xf32, #tpu.memory_space<vmem>>
      %dma_wait3A_275 = tpu.memref_squeeze %dma_wait3A_274 : memref<1x128x128xf32, #tpu.memory_space<vmem>> -> memref<128x128xf32, #tpu.memory_space<vmem>>
      %dma_wait3A_276 = arith.constant 0 : i32
      %dma_wait3A_277 = tpu.memref_slice %arg5[%add3A_269, %dma_wait3A_276] : memref<50x128xi32, #tpu.memory_space<vmem>> -> memref<1x128xi32, #tpu.memory_space<vmem>>
      %dma_wait3A_278 = tpu.memref_squeeze %dma_wait3A_277 : memref<1x128xi32, #tpu.memory_space<vmem>> -> memref<128xi32, #tpu.memory_space<vmem>>
      %dma_wait3A_279 = arith.constant 0 : i32
      %dma_wait3A_280 = arith.constant 0 : i32
      %dma_wait3A_281 = tpu.memref_slice %arg2[%dma_wait3A_279, %dma_wait3A_280] : memref<100000x128xf32, #tpu.memory_space<hbm>> -> memref<100000x128xf32, #tpu.memory_space<hbm>>
      %dma_wait3A_282 = tpu.memref_slice %arg7[%dma_wait3A_271] : memref<5x!tpu.dma_semaphore, #tpu.memory_space<semaphore_mem>> -> memref<1x!tpu.dma_semaphore, #tpu.memory_space<semaphore_mem>>
      %dma_wait3A_283 = tpu.memref_squeeze %dma_wait3A_282 : memref<1x!tpu.dma_semaphore, #tpu.memory_space<semaphore_mem>> -> memref<!tpu.dma_semaphore, #tpu.memory_space<semaphore_mem>>
      tpu.wait_indirect_dma semaphore(%dma_wait3A_283 : memref<!tpu.dma_semaphore, #tpu.memory_space<semaphore_mem>>) src(%dma_wait3A_281 : memref<100000x128xf32, #tpu.memory_space<hbm>>) dst(%dma_wait3A_275 : memref<128x128xf32, #tpu.memory_space<vmem>>)
      %mul3A_284 = arith.constant 128 : i32
      %mul3A_285 = arith.muli %add3A_269, %mul3A_284 : i32
      %add3A_286 = arith.addi %mul3A_2, %mul3A_285 : i32
      %dma_start3A_287 = arith.constant 3 : i32
      %dma_start3A_288 = arith.constant 3 : i32
      %dma_start3A_289 = arith.constant 0 : i32
      %dma_start3A_290 = arith.constant 0 : i32
      %dma_start3A_291 = tpu.memref_slice %arg6[%dma_start3A_287, %dma_start3A_289, %dma_start3A_290] : memref<5x128x128xf32, #tpu.memory_space<vmem>> -> memref<1x128x128xf32, #tpu.memory_space<vmem>>
      %dma_start3A_292 = tpu.memref_squeeze %dma_start3A_291 : memref<1x128x128xf32, #tpu.memory_space<vmem>> -> memref<128x128xf32, #tpu.memory_space<vmem>>
      %dma_start3A_293 = arith.constant 0 : i32
      %dma_start3A_294 = tpu.memref_slice %arg4[%add3A_286, %dma_start3A_293] : memref<204800x128xf32, #tpu.memory_space<hbm>> -> memref<128x128xf32, #tpu.memory_space<hbm>>
      %dma_start3A_295 = tpu.memref_slice %arg8[%dma_start3A_288] : memref<5x!tpu.dma_semaphore, #tpu.memory_space<semaphore_mem>> -> memref<1x!tpu.dma_semaphore, #tpu.memory_space<semaphore_mem>>
      %dma_start3A_296 = tpu.memref_squeeze %dma_start3A_295 : memref<1x!tpu.dma_semaphore, #tpu.memory_space<semaphore_mem>> -> memref<!tpu.dma_semaphore, #tpu.memory_space<semaphore_mem>>
      %dma_start3A_297 = arith.constant 0 : i32
      %dma_start3A_298 = tpu.memref_slice %arg4[%add3A_286, %dma_start3A_297] : memref<204800x128xf32, #tpu.memory_space<hbm>> -> memref<128x128xf32, #tpu.memory_space<hbm>>
      %dma_start3A_299 = arith.constant 0 : i32
      %dma_start3A_300 = arith.constant 0 : i32
      %dma_start3A_301 = tpu.memref_slice %arg6[%dma_start3A_287, %dma_start3A_299, %dma_start3A_300] : memref<5x128x128xf32, #tpu.memory_space<vmem>> -> memref<1x128x128xf32, #tpu.memory_space<vmem>>
      %dma_start3A_302 = tpu.memref_squeeze %dma_start3A_301 : memref<1x128x128xf32, #tpu.memory_space<vmem>> -> memref<128x128xf32, #tpu.memory_space<vmem>>
      tpu.enqueue_dma source(%dma_start3A_302 : memref<128x128xf32, #tpu.memory_space<vmem>>) target(%dma_start3A_298 : memref<128x128xf32, #tpu.memory_space<hbm>>) target_semaphore(%dma_start3A_296 : memref<!tpu.dma_semaphore, #tpu.memory_space<semaphore_mem>>)
      %add3A_303 = arith.constant 3 : i32
      %add3A_304 = arith.addi %add3A_269, %add3A_303 : i32
      %lt3A_305 = arith.constant 50 : i32
      %lt3A_306 = arith.cmpi slt, %add3A_304, %lt3A_305 : i32
      %convert_element_type3A_307 = arith.extui %lt3A_306 : i1 to i32
      %cond3A_308 = arith.constant 0 : i32
      %cond3A_309 = arith.cmpi ne, %convert_element_type3A_307, %cond3A_308 : i32
      scf.if %cond3A_309 {
        %ge3A = arith.constant 5 : i32
        %ge3A_352 = arith.cmpi sge, %add3A_304, %ge3A : i32
        %convert_element_type3A_353 = arith.extui %ge3A_352 : i1 to i32
        %cond3A_354 = arith.constant 0 : i32
        %cond3A_355 = arith.cmpi ne, %convert_element_type3A_353, %cond3A_354 : i32
        scf.if %cond3A_355 {
          %sub3A = arith.constant 5 : i32
          %sub3A_370 = arith.subi %add3A_304, %sub3A : i32
          %mul3A_371 = arith.constant 128 : i32
          %mul3A_372 = arith.muli %sub3A_370, %mul3A_371 : i32
          %add3A_373 = arith.addi %mul3A_2, %mul3A_372 : i32
          %dma_wait3A_374 = arith.constant 1 : i32
          %dma_wait3A_375 = arith.constant 1 : i32
          %dma_wait3A_376 = arith.constant 0 : i32
          %dma_wait3A_377 = arith.constant 0 : i32
          %dma_wait3A_378 = tpu.memref_slice %arg6[%dma_wait3A_374, %dma_wait3A_376, %dma_wait3A_377] : memref<5x128x128xf32, #tpu.memory_space<vmem>> -> memref<1x128x128xf32, #tpu.memory_space<vmem>>
          %dma_wait3A_379 = tpu.memref_squeeze %dma_wait3A_378 : memref<1x128x128xf32, #tpu.memory_space<vmem>> -> memref<128x128xf32, #tpu.memory_space<vmem>>
          %dma_wait3A_380 = arith.constant 0 : i32
          %dma_wait3A_381 = tpu.memref_slice %arg4[%add3A_373, %dma_wait3A_380] : memref<204800x128xf32, #tpu.memory_space<hbm>> -> memref<128x128xf32, #tpu.memory_space<hbm>>
          %dma_wait3A_382 = tpu.memref_slice %arg8[%dma_wait3A_375] : memref<5x!tpu.dma_semaphore, #tpu.memory_space<semaphore_mem>> -> memref<1x!tpu.dma_semaphore, #tpu.memory_space<semaphore_mem>>
          %dma_wait3A_383 = tpu.memref_squeeze %dma_wait3A_382 : memref<1x!tpu.dma_semaphore, #tpu.memory_space<semaphore_mem>> -> memref<!tpu.dma_semaphore, #tpu.memory_space<semaphore_mem>>
          %dma_wait3A_384 = arith.constant 0 : i32
          %dma_wait3A_385 = tpu.memref_slice %arg4[%add3A_373, %dma_wait3A_384] : memref<204800x128xf32, #tpu.memory_space<hbm>> -> memref<128x128xf32, #tpu.memory_space<hbm>>
          %dma_wait3A_386 = arith.constant 0 : i32
          %dma_wait3A_387 = arith.constant 0 : i32
          %dma_wait3A_388 = tpu.memref_slice %arg6[%dma_wait3A_374, %dma_wait3A_386, %dma_wait3A_387] : memref<5x128x128xf32, #tpu.memory_space<vmem>> -> memref<1x128x128xf32, #tpu.memory_space<vmem>>
          %dma_wait3A_389 = tpu.memref_squeeze %dma_wait3A_388 : memref<1x128x128xf32, #tpu.memory_space<vmem>> -> memref<128x128xf32, #tpu.memory_space<vmem>>
          tpu.wait_dma2 semaphore(%dma_wait3A_383 : memref<!tpu.dma_semaphore, #tpu.memory_space<semaphore_mem>>) src(%dma_wait3A_389 : memref<128x128xf32, #tpu.memory_space<vmem>>) dst(%dma_wait3A_385 : memref<128x128xf32, #tpu.memory_space<hbm>>)
        } else {
        }
        %dma_start3A_356 = arith.constant 1 : i32
        %dma_start3A_357 = arith.constant 1 : i32
        %dma_start3A_358 = arith.constant 0 : i32
        %dma_start3A_359 = arith.constant 0 : i32
        %dma_start3A_360 = tpu.memref_slice %arg6[%dma_start3A_356, %dma_start3A_358, %dma_start3A_359] : memref<5x128x128xf32, #tpu.memory_space<vmem>> -> memref<1x128x128xf32, #tpu.memory_space<vmem>>
        %dma_start3A_361 = tpu.memref_squeeze %dma_start3A_360 : memref<1x128x128xf32, #tpu.memory_space<vmem>> -> memref<128x128xf32, #tpu.memory_space<vmem>>
        %dma_start3A_362 = arith.constant 0 : i32
        %dma_start3A_363 = tpu.memref_slice %arg5[%add3A_304, %dma_start3A_362] : memref<50x128xi32, #tpu.memory_space<vmem>> -> memref<1x128xi32, #tpu.memory_space<vmem>>
        %dma_start3A_364 = tpu.memref_squeeze %dma_start3A_363 : memref<1x128xi32, #tpu.memory_space<vmem>> -> memref<128xi32, #tpu.memory_space<vmem>>
        %dma_start3A_365 = arith.constant 0 : i32
        %dma_start3A_366 = arith.constant 0 : i32
        %dma_start3A_367 = tpu.memref_slice %arg2[%dma_start3A_365, %dma_start3A_366] : memref<100000x128xf32, #tpu.memory_space<hbm>> -> memref<100000x128xf32, #tpu.memory_space<hbm>>
        %dma_start3A_368 = tpu.memref_slice %arg7[%dma_start3A_357] : memref<5x!tpu.dma_semaphore, #tpu.memory_space<semaphore_mem>> -> memref<1x!tpu.dma_semaphore, #tpu.memory_space<semaphore_mem>>
        %dma_start3A_369 = tpu.memref_squeeze %dma_start3A_368 : memref<1x!tpu.dma_semaphore, #tpu.memory_space<semaphore_mem>> -> memref<!tpu.dma_semaphore, #tpu.memory_space<semaphore_mem>>
        tpu.enqueue_indirect_dma source(%dma_start3A_367 : memref<100000x128xf32, #tpu.memory_space<hbm>>) target(%dma_start3A_361 : memref<128x128xf32, #tpu.memory_space<vmem>>) offsets(%dma_start3A_364 : memref<128xi32, #tpu.memory_space<vmem>>) semaphore(%dma_start3A_369 : memref<!tpu.dma_semaphore, #tpu.memory_space<semaphore_mem>>)
      } else {
      }
      %add3A_310 = arith.constant 4 : i32
      %add3A_311 = arith.addi %add3A_144, %add3A_310 : i32
      %dma_wait3A_312 = arith.constant 4 : i32
      %dma_wait3A_313 = arith.constant 4 : i32
      %dma_wait3A_314 = arith.constant 0 : i32
      %dma_wait3A_315 = arith.constant 0 : i32
      %dma_wait3A_316 = tpu.memref_slice %arg6[%dma_wait3A_312, %dma_wait3A_314, %dma_wait3A_315] : memref<5x128x128xf32, #tpu.memory_space<vmem>> -> memref<1x128x128xf32, #tpu.memory_space<vmem>>
      %dma_wait3A_317 = tpu.memref_squeeze %dma_wait3A_316 : memref<1x128x128xf32, #tpu.memory_space<vmem>> -> memref<128x128xf32, #tpu.memory_space<vmem>>
      %dma_wait3A_318 = arith.constant 0 : i32
      %dma_wait3A_319 = tpu.memref_slice %arg5[%add3A_311, %dma_wait3A_318] : memref<50x128xi32, #tpu.memory_space<vmem>> -> memref<1x128xi32, #tpu.memory_space<vmem>>
      %dma_wait3A_320 = tpu.memref_squeeze %dma_wait3A_319 : memref<1x128xi32, #tpu.memory_space<vmem>> -> memref<128xi32, #tpu.memory_space<vmem>>
      %dma_wait3A_321 = arith.constant 0 : i32
      %dma_wait3A_322 = arith.constant 0 : i32
      %dma_wait3A_323 = tpu.memref_slice %arg2[%dma_wait3A_321, %dma_wait3A_322] : memref<100000x128xf32, #tpu.memory_space<hbm>> -> memref<100000x128xf32, #tpu.memory_space<hbm>>
      %dma_wait3A_324 = tpu.memref_slice %arg7[%dma_wait3A_313] : memref<5x!tpu.dma_semaphore, #tpu.memory_space<semaphore_mem>> -> memref<1x!tpu.dma_semaphore, #tpu.memory_space<semaphore_mem>>
      %dma_wait3A_325 = tpu.memref_squeeze %dma_wait3A_324 : memref<1x!tpu.dma_semaphore, #tpu.memory_space<semaphore_mem>> -> memref<!tpu.dma_semaphore, #tpu.memory_space<semaphore_mem>>
      tpu.wait_indirect_dma semaphore(%dma_wait3A_325 : memref<!tpu.dma_semaphore, #tpu.memory_space<semaphore_mem>>) src(%dma_wait3A_323 : memref<100000x128xf32, #tpu.memory_space<hbm>>) dst(%dma_wait3A_317 : memref<128x128xf32, #tpu.memory_space<vmem>>)
      %mul3A_326 = arith.constant 128 : i32
      %mul3A_327 = arith.muli %add3A_311, %mul3A_326 : i32
      %add3A_328 = arith.addi %mul3A_2, %mul3A_327 : i32
      %dma_start3A_329 = arith.constant 4 : i32
      %dma_start3A_330 = arith.constant 4 : i32
      %dma_start3A_331 = arith.constant 0 : i32
      %dma_start3A_332 = arith.constant 0 : i32
      %dma_start3A_333 = tpu.memref_slice %arg6[%dma_start3A_329, %dma_start3A_331, %dma_start3A_332] : memref<5x128x128xf32, #tpu.memory_space<vmem>> -> memref<1x128x128xf32, #tpu.memory_space<vmem>>
      %dma_start3A_334 = tpu.memref_squeeze %dma_start3A_333 : memref<1x128x128xf32, #tpu.memory_space<vmem>> -> memref<128x128xf32, #tpu.memory_space<vmem>>
      %dma_start3A_335 = arith.constant 0 : i32
      %dma_start3A_336 = tpu.memref_slice %arg4[%add3A_328, %dma_start3A_335] : memref<204800x128xf32, #tpu.memory_space<hbm>> -> memref<128x128xf32, #tpu.memory_space<hbm>>
      %dma_start3A_337 = tpu.memref_slice %arg8[%dma_start3A_330] : memref<5x!tpu.dma_semaphore, #tpu.memory_space<semaphore_mem>> -> memref<1x!tpu.dma_semaphore, #tpu.memory_space<semaphore_mem>>
      %dma_start3A_338 = tpu.memref_squeeze %dma_start3A_337 : memref<1x!tpu.dma_semaphore, #tpu.memory_space<semaphore_mem>> -> memref<!tpu.dma_semaphore, #tpu.memory_space<semaphore_mem>>
      %dma_start3A_339 = arith.constant 0 : i32
      %dma_start3A_340 = tpu.memref_slice %arg4[%add3A_328, %dma_start3A_339] : memref<204800x128xf32, #tpu.memory_space<hbm>> -> memref<128x128xf32, #tpu.memory_space<hbm>>
      %dma_start3A_341 = arith.constant 0 : i32
      %dma_start3A_342 = arith.constant 0 : i32
      %dma_start3A_343 = tpu.memref_slice %arg6[%dma_start3A_329, %dma_start3A_341, %dma_start3A_342] : memref<5x128x128xf32, #tpu.memory_space<vmem>> -> memref<1x128x128xf32, #tpu.memory_space<vmem>>
      %dma_start3A_344 = tpu.memref_squeeze %dma_start3A_343 : memref<1x128x128xf32, #tpu.memory_space<vmem>> -> memref<128x128xf32, #tpu.memory_space<vmem>>
      tpu.enqueue_dma source(%dma_start3A_344 : memref<128x128xf32, #tpu.memory_space<vmem>>) target(%dma_start3A_340 : memref<128x128xf32, #tpu.memory_space<hbm>>) target_semaphore(%dma_start3A_338 : memref<!tpu.dma_semaphore, #tpu.memory_space<semaphore_mem>>)
      %add3A_345 = arith.constant 3 : i32
      %add3A_346 = arith.addi %add3A_311, %add3A_345 : i32
      %lt3A_347 = arith.constant 50 : i32
      %lt3A_348 = arith.cmpi slt, %add3A_346, %lt3A_347 : i32
      %convert_element_type3A_349 = arith.extui %lt3A_348 : i1 to i32
      %cond3A_350 = arith.constant 0 : i32
      %cond3A_351 = arith.cmpi ne, %convert_element_type3A_349, %cond3A_350 : i32
      scf.if %cond3A_351 {
        %ge3A = arith.constant 5 : i32
        %ge3A_352 = arith.cmpi sge, %add3A_346, %ge3A : i32
        %convert_element_type3A_353 = arith.extui %ge3A_352 : i1 to i32
        %cond3A_354 = arith.constant 0 : i32
        %cond3A_355 = arith.cmpi ne, %convert_element_type3A_353, %cond3A_354 : i32
        scf.if %cond3A_355 {
          %sub3A = arith.constant 5 : i32
          %sub3A_370 = arith.subi %add3A_346, %sub3A : i32
          %mul3A_371 = arith.constant 128 : i32
          %mul3A_372 = arith.muli %sub3A_370, %mul3A_371 : i32
          %add3A_373 = arith.addi %mul3A_2, %mul3A_372 : i32
          %dma_wait3A_374 = arith.constant 2 : i32
          %dma_wait3A_375 = arith.constant 2 : i32
          %dma_wait3A_376 = arith.constant 0 : i32
          %dma_wait3A_377 = arith.constant 0 : i32
          %dma_wait3A_378 = tpu.memref_slice %arg6[%dma_wait3A_374, %dma_wait3A_376, %dma_wait3A_377] : memref<5x128x128xf32, #tpu.memory_space<vmem>> -> memref<1x128x128xf32, #tpu.memory_space<vmem>>
          %dma_wait3A_379 = tpu.memref_squeeze %dma_wait3A_378 : memref<1x128x128xf32, #tpu.memory_space<vmem>> -> memref<128x128xf32, #tpu.memory_space<vmem>>
          %dma_wait3A_380 = arith.constant 0 : i32
          %dma_wait3A_381 = tpu.memref_slice %arg4[%add3A_373, %dma_wait3A_380] : memref<204800x128xf32, #tpu.memory_space<hbm>> -> memref<128x128xf32, #tpu.memory_space<hbm>>
          %dma_wait3A_382 = tpu.memref_slice %arg8[%dma_wait3A_375] : memref<5x!tpu.dma_semaphore, #tpu.memory_space<semaphore_mem>> -> memref<1x!tpu.dma_semaphore, #tpu.memory_space<semaphore_mem>>
          %dma_wait3A_383 = tpu.memref_squeeze %dma_wait3A_382 : memref<1x!tpu.dma_semaphore, #tpu.memory_space<semaphore_mem>> -> memref<!tpu.dma_semaphore, #tpu.memory_space<semaphore_mem>>
          %dma_wait3A_384 = arith.constant 0 : i32
          %dma_wait3A_385 = tpu.memref_slice %arg4[%add3A_373, %dma_wait3A_384] : memref<204800x128xf32, #tpu.memory_space<hbm>> -> memref<128x128xf32, #tpu.memory_space<hbm>>
          %dma_wait3A_386 = arith.constant 0 : i32
          %dma_wait3A_387 = arith.constant 0 : i32
          %dma_wait3A_388 = tpu.memref_slice %arg6[%dma_wait3A_374, %dma_wait3A_386, %dma_wait3A_387] : memref<5x128x128xf32, #tpu.memory_space<vmem>> -> memref<1x128x128xf32, #tpu.memory_space<vmem>>
          %dma_wait3A_389 = tpu.memref_squeeze %dma_wait3A_388 : memref<1x128x128xf32, #tpu.memory_space<vmem>> -> memref<128x128xf32, #tpu.memory_space<vmem>>
          tpu.wait_dma2 semaphore(%dma_wait3A_383 : memref<!tpu.dma_semaphore, #tpu.memory_space<semaphore_mem>>) src(%dma_wait3A_389 : memref<128x128xf32, #tpu.memory_space<vmem>>) dst(%dma_wait3A_385 : memref<128x128xf32, #tpu.memory_space<hbm>>)
        } else {
        }
        %dma_start3A_356 = arith.constant 2 : i32
        %dma_start3A_357 = arith.constant 2 : i32
        %dma_start3A_358 = arith.constant 0 : i32
        %dma_start3A_359 = arith.constant 0 : i32
        %dma_start3A_360 = tpu.memref_slice %arg6[%dma_start3A_356, %dma_start3A_358, %dma_start3A_359] : memref<5x128x128xf32, #tpu.memory_space<vmem>> -> memref<1x128x128xf32, #tpu.memory_space<vmem>>
        %dma_start3A_361 = tpu.memref_squeeze %dma_start3A_360 : memref<1x128x128xf32, #tpu.memory_space<vmem>> -> memref<128x128xf32, #tpu.memory_space<vmem>>
        %dma_start3A_362 = arith.constant 0 : i32
        %dma_start3A_363 = tpu.memref_slice %arg5[%add3A_346, %dma_start3A_362] : memref<50x128xi32, #tpu.memory_space<vmem>> -> memref<1x128xi32, #tpu.memory_space<vmem>>
        %dma_start3A_364 = tpu.memref_squeeze %dma_start3A_363 : memref<1x128xi32, #tpu.memory_space<vmem>> -> memref<128xi32, #tpu.memory_space<vmem>>
        %dma_start3A_365 = arith.constant 0 : i32
        %dma_start3A_366 = arith.constant 0 : i32
        %dma_start3A_367 = tpu.memref_slice %arg2[%dma_start3A_365, %dma_start3A_366] : memref<100000x128xf32, #tpu.memory_space<hbm>> -> memref<100000x128xf32, #tpu.memory_space<hbm>>
        %dma_start3A_368 = tpu.memref_slice %arg7[%dma_start3A_357] : memref<5x!tpu.dma_semaphore, #tpu.memory_space<semaphore_mem>> -> memref<1x!tpu.dma_semaphore, #tpu.memory_space<semaphore_mem>>
        %dma_start3A_369 = tpu.memref_squeeze %dma_start3A_368 : memref<1x!tpu.dma_semaphore, #tpu.memory_space<semaphore_mem>> -> memref<!tpu.dma_semaphore, #tpu.memory_space<semaphore_mem>>
        tpu.enqueue_indirect_dma source(%dma_start3A_367 : memref<100000x128xf32, #tpu.memory_space<hbm>>) target(%dma_start3A_361 : memref<128x128xf32, #tpu.memory_space<vmem>>) offsets(%dma_start3A_364 : memref<128xi32, #tpu.memory_space<vmem>>) semaphore(%dma_start3A_369 : memref<!tpu.dma_semaphore, #tpu.memory_space<semaphore_mem>>)
      } else {
      }
    }
    %scan3A_50 = arith.constant 10 : i32
    %add3A_51 = arith.constant 5760 : i32
    %add3A_52 = arith.addi %mul3A_2, %add3A_51 : i32
    %dma_wait3A = arith.constant 0 : i32
    %dma_wait3A_53 = arith.constant 0 : i32
    %dma_wait3A_54 = arith.constant 0 : i32
    %dma_wait3A_55 = arith.constant 0 : i32
    %dma_wait3A_56 = tpu.memref_slice %arg6[%dma_wait3A, %dma_wait3A_54, %dma_wait3A_55] : memref<5x128x128xf32, #tpu.memory_space<vmem>> -> memref<1x128x128xf32, #tpu.memory_space<vmem>>
    %dma_wait3A_57 = tpu.memref_squeeze %dma_wait3A_56 : memref<1x128x128xf32, #tpu.memory_space<vmem>> -> memref<128x128xf32, #tpu.memory_space<vmem>>
    %dma_wait3A_58 = arith.constant 0 : i32
    %dma_wait3A_59 = tpu.memref_slice %arg4[%add3A_52, %dma_wait3A_58] : memref<204800x128xf32, #tpu.memory_space<hbm>> -> memref<128x128xf32, #tpu.memory_space<hbm>>
    %dma_wait3A_60 = tpu.memref_slice %arg8[%dma_wait3A_53] : memref<5x!tpu.dma_semaphore, #tpu.memory_space<semaphore_mem>> -> memref<1x!tpu.dma_semaphore, #tpu.memory_space<semaphore_mem>>
    %dma_wait3A_61 = tpu.memref_squeeze %dma_wait3A_60 : memref<1x!tpu.dma_semaphore, #tpu.memory_space<semaphore_mem>> -> memref<!tpu.dma_semaphore, #tpu.memory_space<semaphore_mem>>
    %dma_wait3A_62 = arith.constant 0 : i32
    %dma_wait3A_63 = tpu.memref_slice %arg4[%add3A_52, %dma_wait3A_62] : memref<204800x128xf32, #tpu.memory_space<hbm>> -> memref<128x128xf32, #tpu.memory_space<hbm>>
    %dma_wait3A_64 = arith.constant 0 : i32
    %dma_wait3A_65 = arith.constant 0 : i32
    %dma_wait3A_66 = tpu.memref_slice %arg6[%dma_wait3A, %dma_wait3A_64, %dma_wait3A_65] : memref<5x128x128xf32, #tpu.memory_space<vmem>> -> memref<1x128x128xf32, #tpu.memory_space<vmem>>
    %dma_wait3A_67 = tpu.memref_squeeze %dma_wait3A_66 : memref<1x128x128xf32, #tpu.memory_space<vmem>> -> memref<128x128xf32, #tpu.memory_space<vmem>>
    tpu.wait_dma2 semaphore(%dma_wait3A_61 : memref<!tpu.dma_semaphore, #tpu.memory_space<semaphore_mem>>) src(%dma_wait3A_67 : memref<128x128xf32, #tpu.memory_space<vmem>>) dst(%dma_wait3A_63 : memref<128x128xf32, #tpu.memory_space<hbm>>)
    %add3A_68 = arith.constant 5888 : i32
    %add3A_69 = arith.addi %mul3A_2, %add3A_68 : i32
    %dma_wait3A_70 = arith.constant 1 : i32
    %dma_wait3A_71 = arith.constant 1 : i32
    %dma_wait3A_72 = arith.constant 0 : i32
    %dma_wait3A_73 = arith.constant 0 : i32
    %dma_wait3A_74 = tpu.memref_slice %arg6[%dma_wait3A_70, %dma_wait3A_72, %dma_wait3A_73] : memref<5x128x128xf32, #tpu.memory_space<vmem>> -> memref<1x128x128xf32, #tpu.memory_space<vmem>>
    %dma_wait3A_75 = tpu.memref_squeeze %dma_wait3A_74 : memref<1x128x128xf32, #tpu.memory_space<vmem>> -> memref<128x128xf32, #tpu.memory_space<vmem>>
    %dma_wait3A_76 = arith.constant 0 : i32
    %dma_wait3A_77 = tpu.memref_slice %arg4[%add3A_69, %dma_wait3A_76] : memref<204800x128xf32, #tpu.memory_space<hbm>> -> memref<128x128xf32, #tpu.memory_space<hbm>>
    %dma_wait3A_78 = tpu.memref_slice %arg8[%dma_wait3A_71] : memref<5x!tpu.dma_semaphore, #tpu.memory_space<semaphore_mem>> -> memref<1x!tpu.dma_semaphore, #tpu.memory_space<semaphore_mem>>
    %dma_wait3A_79 = tpu.memref_squeeze %dma_wait3A_78 : memref<1x!tpu.dma_semaphore, #tpu.memory_space<semaphore_mem>> -> memref<!tpu.dma_semaphore, #tpu.memory_space<semaphore_mem>>
    %dma_wait3A_80 = arith.constant 0 : i32
    %dma_wait3A_81 = tpu.memref_slice %arg4[%add3A_69, %dma_wait3A_80] : memref<204800x128xf32, #tpu.memory_space<hbm>> -> memref<128x128xf32, #tpu.memory_space<hbm>>
    %dma_wait3A_82 = arith.constant 0 : i32
    %dma_wait3A_83 = arith.constant 0 : i32
    %dma_wait3A_84 = tpu.memref_slice %arg6[%dma_wait3A_70, %dma_wait3A_82, %dma_wait3A_83] : memref<5x128x128xf32, #tpu.memory_space<vmem>> -> memref<1x128x128xf32, #tpu.memory_space<vmem>>
    %dma_wait3A_85 = tpu.memref_squeeze %dma_wait3A_84 : memref<1x128x128xf32, #tpu.memory_space<vmem>> -> memref<128x128xf32, #tpu.memory_space<vmem>>
    tpu.wait_dma2 semaphore(%dma_wait3A_79 : memref<!tpu.dma_semaphore, #tpu.memory_space<semaphore_mem>>) src(%dma_wait3A_85 : memref<128x128xf32, #tpu.memory_space<vmem>>) dst(%dma_wait3A_81 : memref<128x128xf32, #tpu.memory_space<hbm>>)
    %add3A_86 = arith.constant 6016 : i32
    %add3A_87 = arith.addi %mul3A_2, %add3A_86 : i32
    %dma_wait3A_88 = arith.constant 2 : i32
    %dma_wait3A_89 = arith.constant 2 : i32
    %dma_wait3A_90 = arith.constant 0 : i32
    %dma_wait3A_91 = arith.constant 0 : i32
    %dma_wait3A_92 = tpu.memref_slice %arg6[%dma_wait3A_88, %dma_wait3A_90, %dma_wait3A_91] : memref<5x128x128xf32, #tpu.memory_space<vmem>> -> memref<1x128x128xf32, #tpu.memory_space<vmem>>
    %dma_wait3A_93 = tpu.memref_squeeze %dma_wait3A_92 : memref<1x128x128xf32, #tpu.memory_space<vmem>> -> memref<128x128xf32, #tpu.memory_space<vmem>>
    %dma_wait3A_94 = arith.constant 0 : i32
    %dma_wait3A_95 = tpu.memref_slice %arg4[%add3A_87, %dma_wait3A_94] : memref<204800x128xf32, #tpu.memory_space<hbm>> -> memref<128x128xf32, #tpu.memory_space<hbm>>
    %dma_wait3A_96 = tpu.memref_slice %arg8[%dma_wait3A_89] : memref<5x!tpu.dma_semaphore, #tpu.memory_space<semaphore_mem>> -> memref<1x!tpu.dma_semaphore, #tpu.memory_space<semaphore_mem>>
    %dma_wait3A_97 = tpu.memref_squeeze %dma_wait3A_96 : memref<1x!tpu.dma_semaphore, #tpu.memory_space<semaphore_mem>> -> memref<!tpu.dma_semaphore, #tpu.memory_space<semaphore_mem>>
    %dma_wait3A_98 = arith.constant 0 : i32
    %dma_wait3A_99 = tpu.memref_slice %arg4[%add3A_87, %dma_wait3A_98] : memref<204800x128xf32, #tpu.memory_space<hbm>> -> memref<128x128xf32, #tpu.memory_space<hbm>>
    %dma_wait3A_100 = arith.constant 0 : i32
    %dma_wait3A_101 = arith.constant 0 : i32
    %dma_wait3A_102 = tpu.memref_slice %arg6[%dma_wait3A_88, %dma_wait3A_100, %dma_wait3A_101] : memref<5x128x128xf32, #tpu.memory_space<vmem>> -> memref<1x128x128xf32, #tpu.memory_space<vmem>>
    %dma_wait3A_103 = tpu.memref_squeeze %dma_wait3A_102 : memref<1x128x128xf32, #tpu.memory_space<vmem>> -> memref<128x128xf32, #tpu.memory_space<vmem>>
    tpu.wait_dma2 semaphore(%dma_wait3A_97 : memref<!tpu.dma_semaphore, #tpu.memory_space<semaphore_mem>>) src(%dma_wait3A_103 : memref<128x128xf32, #tpu.memory_space<vmem>>) dst(%dma_wait3A_99 : memref<128x128xf32, #tpu.memory_space<hbm>>)
    %add3A_104 = arith.constant 6144 : i32
    %add3A_105 = arith.addi %mul3A_2, %add3A_104 : i32
    %dma_wait3A_106 = arith.constant 3 : i32
    %dma_wait3A_107 = arith.constant 3 : i32
    %dma_wait3A_108 = arith.constant 0 : i32
    %dma_wait3A_109 = arith.constant 0 : i32
    %dma_wait3A_110 = tpu.memref_slice %arg6[%dma_wait3A_106, %dma_wait3A_108, %dma_wait3A_109] : memref<5x128x128xf32, #tpu.memory_space<vmem>> -> memref<1x128x128xf32, #tpu.memory_space<vmem>>
    %dma_wait3A_111 = tpu.memref_squeeze %dma_wait3A_110 : memref<1x128x128xf32, #tpu.memory_space<vmem>> -> memref<128x128xf32, #tpu.memory_space<vmem>>
    %dma_wait3A_112 = arith.constant 0 : i32
    %dma_wait3A_113 = tpu.memref_slice %arg4[%add3A_105, %dma_wait3A_112] : memref<204800x128xf32, #tpu.memory_space<hbm>> -> memref<128x128xf32, #tpu.memory_space<hbm>>
    %dma_wait3A_114 = tpu.memref_slice %arg8[%dma_wait3A_107] : memref<5x!tpu.dma_semaphore, #tpu.memory_space<semaphore_mem>> -> memref<1x!tpu.dma_semaphore, #tpu.memory_space<semaphore_mem>>
    %dma_wait3A_115 = tpu.memref_squeeze %dma_wait3A_114 : memref<1x!tpu.dma_semaphore, #tpu.memory_space<semaphore_mem>> -> memref<!tpu.dma_semaphore, #tpu.memory_space<semaphore_mem>>
    %dma_wait3A_116 = arith.constant 0 : i32
    %dma_wait3A_117 = tpu.memref_slice %arg4[%add3A_105, %dma_wait3A_116] : memref<204800x128xf32, #tpu.memory_space<hbm>> -> memref<128x128xf32, #tpu.memory_space<hbm>>
    %dma_wait3A_118 = arith.constant 0 : i32
    %dma_wait3A_119 = arith.constant 0 : i32
    %dma_wait3A_120 = tpu.memref_slice %arg6[%dma_wait3A_106, %dma_wait3A_118, %dma_wait3A_119] : memref<5x128x128xf32, #tpu.memory_space<vmem>> -> memref<1x128x128xf32, #tpu.memory_space<vmem>>
    %dma_wait3A_121 = tpu.memref_squeeze %dma_wait3A_120 : memref<1x128x128xf32, #tpu.memory_space<vmem>> -> memref<128x128xf32, #tpu.memory_space<vmem>>
    tpu.wait_dma2 semaphore(%dma_wait3A_115 : memref<!tpu.dma_semaphore, #tpu.memory_space<semaphore_mem>>) src(%dma_wait3A_121 : memref<128x128xf32, #tpu.memory_space<vmem>>) dst(%dma_wait3A_117 : memref<128x128xf32, #tpu.memory_space<hbm>>)
    %add3A_122 = arith.constant 6272 : i32
    %add3A_123 = arith.addi %mul3A_2, %add3A_122 : i32
    %dma_wait3A_124 = arith.constant 4 : i32
    %dma_wait3A_125 = arith.constant 4 : i32
    %dma_wait3A_126 = arith.constant 0 : i32
    %dma_wait3A_127 = arith.constant 0 : i32
    %dma_wait3A_128 = tpu.memref_slice %arg6[%dma_wait3A_124, %dma_wait3A_126, %dma_wait3A_127] : memref<5x128x128xf32, #tpu.memory_space<vmem>> -> memref<1x128x128xf32, #tpu.memory_space<vmem>>
    %dma_wait3A_129 = tpu.memref_squeeze %dma_wait3A_128 : memref<1x128x128xf32, #tpu.memory_space<vmem>> -> memref<128x128xf32, #tpu.memory_space<vmem>>
    %dma_wait3A_130 = arith.constant 0 : i32
    %dma_wait3A_131 = tpu.memref_slice %arg4[%add3A_123, %dma_wait3A_130] : memref<204800x128xf32, #tpu.memory_space<hbm>> -> memref<128x128xf32, #tpu.memory_space<hbm>>
    %dma_wait3A_132 = tpu.memref_slice %arg8[%dma_wait3A_125] : memref<5x!tpu.dma_semaphore, #tpu.memory_space<semaphore_mem>> -> memref<1x!tpu.dma_semaphore, #tpu.memory_space<semaphore_mem>>
    %dma_wait3A_133 = tpu.memref_squeeze %dma_wait3A_132 : memref<1x!tpu.dma_semaphore, #tpu.memory_space<semaphore_mem>> -> memref<!tpu.dma_semaphore, #tpu.memory_space<semaphore_mem>>
    %dma_wait3A_134 = arith.constant 0 : i32
    %dma_wait3A_135 = tpu.memref_slice %arg4[%add3A_123, %dma_wait3A_134] : memref<204800x128xf32, #tpu.memory_space<hbm>> -> memref<128x128xf32, #tpu.memory_space<hbm>>
    %dma_wait3A_136 = arith.constant 0 : i32
    %dma_wait3A_137 = arith.constant 0 : i32
    %dma_wait3A_138 = tpu.memref_slice %arg6[%dma_wait3A_124, %dma_wait3A_136, %dma_wait3A_137] : memref<5x128x128xf32, #tpu.memory_space<vmem>> -> memref<1x128x128xf32, #tpu.memory_space<vmem>>
    %dma_wait3A_139 = tpu.memref_squeeze %dma_wait3A_138 : memref<1x128x128xf32, #tpu.memory_space<vmem>> -> memref<128x128xf32, #tpu.memory_space<vmem>>
    tpu.wait_dma2 semaphore(%dma_wait3A_133 : memref<!tpu.dma_semaphore, #tpu.memory_space<semaphore_mem>>) src(%dma_wait3A_139 : memref<128x128xf32, #tpu.memory_space<vmem>>) dst(%dma_wait3A_135 : memref<128x128xf32, #tpu.memory_space<hbm>>)
    return
  }
}

</mosaic_0001>

<sc_bundles>
// kernel: kernel.3.cloned.1.call-start
scs
__scs_entry_jumppad:
0x0: {  	(pc) =	sbr.rel $0x88, $3  }
0x1: {  	(tag) =	ssettag $0x0;
	lr =	simm.s32 $0x1  }
0x2: {  	[smem:$0x3F9F] =	sst lr;
	_ =	strace $0xD0000000  }
0x3: {  	_ = 	snop  }
0x4: {  	_ = 	snop  }
0x5: {  	_ = 	snop  }
0x6: {  	_ = 	snop  }
0x7: {  	_ = 	snop  }
__scs_overlays_trampoline_lowered:
0x8: {  	[smem:$0x3FAE] =	sst s0  }
0x9: {  	[smem:$0x3FAF] =	sst s1  }
0xa: {  	[smem:$0x3FB0] =	sst s2  }
0xb: {  	[smem:$0x3FB1] =	sst s3  }
0xc: {  	[smem:$0x3FB2] =	sst s4  }
0xd: {  	[smem:$0x3FB3] =	sst s5  }
0xe: {  	[smem:$0x3FB4] =	sst s6  }
0xf: {  	[smem:$0x3FB5] =	sst s7  }
0x10: {  	[smem:$0x3FB6] =	sst s8  }
0x11: {  	[smem:$0x3FB7] =	sst s9;
	s0 =	simm.s32 @!p0 $0x0  }
0x12: {  	s1 =	sld [smem:$0x3F9D];
	s0 =	simm.s32 @p0 $0x1  }
0x13: {  	[smem:$0x3FB8] =	sst s0;
	s0 =	simm.s32 @!p1 $0x0  }
0x14: {  	s2 =	sld [smem:$0x3F9C];
	s0 =	simm.s32 @p1 $0x1  }
0x15: {  	[smem:$0x3FB9] =	sst s0;
	s0 =	simm.s32 @!p2 $0x0  }
0x16: {  	s3 =	sld [smem:$0x3FDB];
	s0 =	simm.s32 @p2 $0x1  }
0x17: {  	s4 =	simm.s32 $0x1BF5;
	[smem:$0x3FBB] =	sst s0  }
0x18: {  	s0 =	sld [smem:$0x3F9E];
	_ =	swait.ge [sflag:s4], $0x0  }
0x19: {  	s7 =	sld [smem:$0x3F9F]  }
0x1a: {  	s8 =	sadd.s32 $0xFFFFE003, lr  }
0x1b: {  	s9 =	sadd.s32 $0xFFFFFEF7, lr;
	s5 =	simm.s32 $0xFFFFFFFF;
	p2 =	slt.u32 s8, $0xFFFFF086  }
0x1c: {  	p1 =	slt.u32 s9, $0xF7A;
	s5 =	simm.s32 @!p2 $0x0  }
0x1d: {  	s5 =	simm.s32 @p1 $0x1;
	p0 =	seq.s32 s7, s2  }
0x1e: {  	s7 =	smul.u32 @!p0 $0xF7A, s2;
	p2 =	seq.s32 @!p0 s5, $0x0  }
0x1f: {  	s9 =	smul.u32 $0xF7A, s1;
	s8 =	simm.s32 @!p0 $0x1BF5;
	p2 =	por !p2, p0  }
0x20: {  	[sflag:s8] =	ssyncset.s32 @!p0 $0xFFFFF086;
	s6 =	sadd.s32 @!p0 s3, s7;
	s7 =	simm.s32 @!p0 $0x108  }
0x21: {  	s3 =	sadd.s32 s3, s9;
	s6 =	sadd.s32 @!p0 $0x88, s6;
	s7 =	simm.s32 @p2 $0x1082  }
0x22: {  	[simem:s7], [sflag:s8] =	dma.local @!p0 [hbm:s6], $0xF7A  }
0x23: {  	s9 =	sor.u32 $0xD0000000, s2;
	s6 =	simm.s32 $0x108;
	_ =	swait.ge @!p0 [sflag:s8], $0x0  }
0x24: {  	s3 =	sadd.s32 $0x88, s3;
	s6 =	simm.s32 @!p1 $0x1082;
	[sflag:s4] =	ssyncset.s32 $0xFFFFF086  }
0x25: {  	[simem:s6], [sflag:s4] =	dma.local [hbm:s3], $0xF7A  }
0x26: {  	[smem:$0x3F9F] =	sst s1;
	(tag) =	ssettag s2;
	_ =	strace s9  }
0x27: {  	s1 =	sld [smem:$0x3FAF]  }
0x28: {  	s2 =	sld [smem:$0x3FB0]  }
0x29: {  	s4 =	sld [smem:$0x3FB2]  }
0x2a: {  	p0 =	seq.s32 s5, $0x0;
	s5 =	sld [smem:$0x3FB3]  }
0x2b: {  	s6 =	sld [smem:$0x3FB4]  }
0x2c: {  	s7 =	sld [smem:$0x3FB5]  }
0x2d: {  	s3 =	simm.s32 $0x108;
	s8 =	sld [smem:$0x3FB6]  }
0x2e: {  	s3 =	simm.s32 @!p0 $0x1082;
	s9 =	sld [smem:$0x3FB7]  }
0x2f: {  	lr =	sadd.s32 s0, s3;
	s0 =	sld [smem:$0x3FAE]  }
0x30: {  	s3 =	sld [smem:$0x3FB1]  }
0x31: {  	[smem:$0x3FBA] =	sst s10  }
0x32: {  	s10 =	sld [smem:$0x3FB8];
	_ =	sdelay $0x3  }
0x33: {  	p0 =	seq.s32 s10, $0x1;
	s10 =	sld [smem:$0x3FBA];
	_ =	sdelay $0x3  }
0x34: {  	[smem:$0x3FBA] =	sst s10  }
0x35: {  	s10 =	sld [smem:$0x3FB9];
	_ =	sdelay $0x3  }
0x36: {  	p1 =	seq.s32 s10, $0x1;
	s10 =	sld [smem:$0x3FBA];
	_ =	sdelay $0x3  }
0x37: {  	[smem:$0x3FBA] =	sst s10  }
0x38: {  	s10 =	sld [smem:$0x3FBB]  }
0x39: {  	_ = 	snop;
	(pc) =	sbr.ind lr, $3  }
0x3a: {  	_ = 	snop  }
0x3b: {  	_ = 	snop  }
0x3c: {  	p2 =	seq.s32 s10, $0x1;
	s10 =	sld [smem:$0x3FBA]  }
0x3d: {  	_ =	shalt  }
0x3e: {  	_ =	shalt  }
0x3f: {  	_ =	shalt  }
0x40: {  	_ =	shalt  }
0x41: {  	_ =	shalt  }
0x42: {  	_ =	shalt  }
0x43: {  	_ =	shalt  }
0x44: {  	_ =	shalt  }
0x45: {  	_ =	shalt  }
0x46: {  	_ =	shalt  }
0x47: {  	_ =	shalt  }
0x48: {  	_ =	shalt  }
0x49: {  	_ =	shalt  }
0x4a: {  	_ =	shalt  }
0x4b: {  	_ =	shalt  }
0x4c: {  	_ =	shalt  }
0x4d: {  	_ =	shalt  }
0x4e: {  	_ =	shalt  }
0x4f: {  	_ =	shalt  }
0x50: {  	_ =	shalt  }
0x51: {  	_ =	shalt  }
0x52: {  	_ =	shalt  }
0x53: {  	_ =	shalt  }
0x54: {  	_ =	shalt  }
0x55: {  	_ =	shalt  }
0x56: {  	_ =	shalt  }
0x57: {  	_ =	shalt  }
0x58: {  	_ =	shalt  }
0x59: {  	_ =	shalt  }
0x5a: {  	_ =	shalt  }
0x5b: {  	_ =	shalt  }
0x5c: {  	_ =	shalt  }
0x5d: {  	_ =	shalt  }
0x5e: {  	_ =	shalt  }
0x5f: {  	_ =	shalt  }
0x60: {  	_ =	shalt  }
0x61: {  	_ =	shalt  }
0x62: {  	_ =	shalt  }
0x63: {  	_ =	shalt  }
0x64: {  	_ =	shalt  }
0x65: {  	_ =	shalt  }
0x66: {  	_ =	shalt  }
0x67: {  	_ =	shalt  }
0x68: {  	_ =	shalt  }
0x69: {  	_ =	shalt  }
0x6a: {  	_ =	shalt  }
0x6b: {  	_ =	shalt  }
0x6c: {  	_ =	shalt  }
0x6d: {  	_ =	shalt  }
0x6e: {  	_ =	shalt  }
0x6f: {  	_ =	shalt  }
0x70: {  	_ =	shalt  }
0x71: {  	_ =	shalt  }
0x72: {  	_ =	shalt  }
0x73: {  	_ =	shalt  }
0x74: {  	_ =	shalt  }
0x75: {  	_ =	shalt  }
0x76: {  	_ =	shalt  }
0x77: {  	_ =	shalt  }
0x78: {  	_ =	shalt  }
0x79: {  	_ =	shalt  }
0x7a: {  	_ =	shalt  }
0x7b: {  	_ =	shalt  }
0x7c: {  	_ =	shalt  }
0x7d: {  	_ =	shalt  }
0x7e: {  	_ =	shalt  }
0x7f: {  	_ =	shalt  }
0x80: {  	_ =	shalt  }
0x81: {  	_ =	shalt  }
0x82: {  	_ =	shalt  }
0x83: {  	_ =	shalt  }
0x84: {  	_ =	shalt  }
0x85: {  	_ =	shalt  }
0x86: {  	_ =	shalt  }
0x87: {  	_ =	shalt  }
.Lfunc_end0:
.L_simem_size_0:
called_computation_lowered:
.L_overlay_start_0:
0x88: {  	s2 =	sld [smem:$0x3FD9]  }
0x89: {  	s3 =	sld [smem:$0x3FFE];
	_ =	sdelay $0x1  }
0x8a: {  	s1 =	srdreg.scid  }
0x8b: {  	s0 =	sand.u32 $0x1, s1  }
0x8c: {  	s17 =	sshll.u32 s0, $0xA;
	s2 =	sadd.s32 s3, s2  }
0x8d: {  	s2 =	sadd.s32 s2, s17  }
0x8e: {  	[smem:$0x3FC6] =	sst s2  }
0x8f: {  	_ = 	snop  }
0x90: {  	s2 =	sld [smem:$0x3FC8]  }
0x91: {  	s18 =	sld [smem:$0x3FD0];
	(tm) =	ssettm $0x1  }
0x92: {  	s4 =	sld [smem:$0x3FFB];
	_ =	sdelay $0x3  }
0x93: {  	_ =	strace s4  }
0x94: {  	s4 =	sld [smem:$0x3FFC];
	_ =	sdelay $0x3  }
0x95: {  	_ =	strace s4  }
0x96: {  	s4 =	sld [smem:$0x3FFD];
	_ =	sdelay $0x3  }
0x97: {  	_ =	strace s4  }
0x98: {  	_ =	strace $0x8FFFFFFF  }
0x99: {  	s19 =	sld [smem:$0x3FDB];
	_ =	sdelay $0x1  }
0x9a: {  	s5 =	simm.s32 $_scs_section_size  }
0x9b: {  	s6 =	simm.s32 $_size__tile_overlayer_lowered;
	s7 =	simm.s32 $_tile_overlayer_lowered  }
0x9c: {  	s22 =	simm.s32 $0x1BFF;
	s21 =	sshll.u32 s7, $0x1;
	s4 =	sadd.s32 s5, s19  }
0x9d: {  	s8 =	simm.s32 $0x0;
	s20 =	sshll.u32 s6, $0x1;
	s6 =	sadd.s32 s21, s4  }
0x9e: {  	[timem:s8], [sflag:s22] =	dma.local [hbm:s6], s20  }
0x9f: {  	_ =	swait.ge [sflag:s22], s20  }
0xa0: {  	s5 =	ssub.s32 $0x0, s20;
	[sflag:s22] =	ssyncset.done $0x0  }
0xa1: {  	[sflag:s22] =	ssyncadd.s32 s5;
	_ =	sdelay $0x1  }
0xa2: {  	s23 =	simm.s32 $0x1B8B  }
0xa3: {  	_ =	swait.ge [sflag:s23], $0x1  }
0xa4: {  	[sflag:s23] =	ssyncset.done $0x0  }
0xa5: {  	s25 =	simm.s32 $0x1B8E;
	s24 =	sld [smem:$0x3FFE];
	[sflag:s23] =	ssyncadd.s32 $0xFFFFFFFF  }
0xa6: {  	s26 =	simm.s32 $execute0_lowered;
	[smem:$0x3FD2] =	sst s25  }
0xa7: {  	s6 =	sshll.u32 s26, $0x1;
	_ =	strace $0x80000046;
	[dreg:$0x1] =	wrdreg $0xFFFFFFFF  }
0xa8: {  	s28 =	simm.s32 $_size_execute0_lowered;
	s4 =	sadd.s32 s4, s6;
	[dreg:$0x0] =	wrdreg $0x0  }
0xa9: {  	s6 =	sshll.u32 s28, $0x1;
	[dreg:$0x2] =	wrdreg s4  }
0xaa: {  	[dreg:$0x3] =	wrdreg s6  }
0xab: {  	[dreg:$0x4] =	wrdreg $0xC0  }
0xac: {  	_ =	task [dreg:s8], $0x5FFFF  }
0xad: {  	[dreg:$0x1] =	wrdreg $0xFFFFFFFF  }
0xae: {  	[dreg:$0x0] =	wrdreg $0x60  }
0xaf: {  	[dreg:$0x2] =	wrdreg s2  }
0xb0: {  	[dreg:$0x3] =	wrdreg s24  }
0xb1: {  	[dreg:$0x4] =	wrdreg s18  }
0xb2: {  	[dreg:$0x5] =	wrdreg $0x9  }
0xb3: {  	_ =	task.clear_ibuf [dreg:s8], $0x6FFFF;
	_ =	strace $0x90000046  }
0xb4: {  	s29 =	simm.s32 $0x9;
	_ =	strace $0x80000048  }
0xb5: {  	_ =	swait.ge [sflag:s29], $0x1  }
0xb6: {  	[sflag:s29] =	ssyncadd.s32 $0xFFFFFFFF  }
0xb7: {  	_ =	strace $0x90000048  }
0xb8: {  	_ =	sfence  }
0xb9: {  	s30 =	sld [smem:$0x0];
	_ =	sdelay $0x2  }
0xba: {  	s31 =	sshll.u32 s1, $0xD;
	s1 =	sshrl.u32 s1, $0x2  }
0xbb: {  	s3 =	sand.u32 $0x4000, s31;
	s1 =	sadd.s32 s1, s30  }
0xbc: {  	s0 =	sor.u32 s3, s0;
	s1 =	sshll.u32 s1, $0x11  }
0xbd: {  	s0 =	sor.u32 s1, s0  }
0xbe: {  	s0 =	sadd.s32 $0x8F2B, s0  }
0xbf: {  	[sflag:s0] =	ssyncadd.remote.s32 $0x1  }
0xc0: {  	_ =	sfence.sel $0xFFFF  }
0xc1: {  	[dreg:$0x0] =	wrdreg $0xFFFFFFFF;
	(pc) =	sbr.abs _section_cstart, $3  }
0xc2: {  	[dreg:$0x1] =	wrdreg $0xFFFFFFFF  }
0xc3: {  	_ =	task.clear_ibuf [dreg:s8], $0x2FFFF;
	_ =	strace $0x9FFFFFFF  }
0xc4: {  	(tm) =	ssettm $0x7FFFFFFF  }
0xc5: {  	_ =	shalt  }
tec
execute0_lowered:
.L_overlay_start_1:
0x0: {  	(tag) =	ssettag $0x1  }
0x1: {  	s2 =	srdreg.scid;
	s1 =	rddreg [dreg:$0x0]  }
0x2: {  	s0 =	stileid.u32;
	s5 =	rddreg [dreg:$0x1];
	s12 =	simm.s32 $0x1C00  }
0x3: {  	s13 =	simm.s32 $0x5C00;
	s15 =	simm.s32 $0x9C00;
	s16 =	simm.s32 $0x1  }
0x4: {  	s17 =	simm.s32 $0xDC00;
	s18 =	simm.s32 $0x2;
	s19 =	simm.s32 $0x11C00  }
0x5: {  	s20 =	simm.s32 $0x3;
	s21 =	simm.s32 $0x4;
	s22 =	simm.s32 $0x5  }
0x6: {  	s23 =	simm.s32 $0x6;
	s24 =	simm.s32 $0x7;
	s7 =	smul.u32 $0x32000, s0  }
0x7: {  	s28 =	simm.s32 $0xA;
	s2 =	sand.u32 $0x1, s2;
	s9 =	smul.u32 $0x190000, s0  }
0x8: {  	s29 =	simm.s32 $0x0;
	s3 =	sshll.u32 s0, $0x1;
	s11 =	smul.u32 $0xC8000, s2  }
0x9: {  	s4 =	sor.u32 s2, s3;
	s8 =	ssub.s32 $0x2, s2;
	s2 =	smul.u32 $0x19000, s2  }
0xa: {  	s6 =	smul.u32 $0x380, s4;
	s4 =	simm.s32 $0x0;
	s10 =	sshrl.u32 s8, $0x1  }
0xb: {  	[smem:$0x7FF] =	sst s4;
	s25 =	ssub.s32 s8, s10;
	s30 =	sadd.s32 s11, s9  }
.Ltmp0:
0xc: {  	s7 =	sadd.s32 s2, s7;
	s10 =	simm.s32 $0xB;
	(pc) =	sbr.rel .LBB2_1-.Ltmp0, $4  }
0xd: {  	s11 =	simm.s32 $0x80;
	_ =	strace $0x80000047;
	s5 =	sadd.s32 s6, s5  }
0xe: {  	s6 =	smax.u32 s25, $0x1;
	s31 =	sadd.s32 $0x10000, s30;
	s9 =	sadd.s32 $0xC000, s30  }
0xf: {  	s25 =	simm.s32 $0x8;
	s26 =	sadd.s32 $0x400, s5;
	s8 =	sshrl.u32 s31, $0x3  }
0x10: {  	s9 =	sshrl.u32 s9, $0x3;
	[dreg:$0x4] =	wrdreg s26;
	s26 =	simm.s32 $0x9  }
.LBB2_4:
0x11: {  	_ =	swait.ge [sflag:s23], $0x4000  }
0x12: {  	[sflag:s23] =	ssyncset.done $0x0  }
0x13: {  	[sflag:s23] =	ssyncadd.s32 $0xFFFFC000  }
0x14: {  	_ =	swait.ge [sflag:s24], $0x4000  }
0x15: {  	[sflag:s24] =	ssyncset.done $0x0  }
0x16: {  	[sflag:s24] =	ssyncadd.s32 $0xFFFFC000  }
0x17: {  	_ =	swait.ge [sflag:s25], $0x4000  }
0x18: {  	[sflag:s25] =	ssyncset.done $0x0  }
0x19: {  	s29 =	sadd.s32 $0x1, s29;
	[sflag:s25] =	ssyncadd.s32 $0xFFFFC000  }
0x1a: {  	p0 =	sne.s32 s29, s6;
	_ =	swait.ge [sflag:s26], $0x4000  }
.Ltmp1:
0x1b: {  	[sflag:s26] =	ssyncset.done $0x0;
	(pc) =	sbr.rel @!p0 .LBB2_5-.Ltmp1, $4  }
0x1c: {  	[sflag:s26] =	ssyncadd.s32 $0xFFFFC000  }
0x1d: {  	_ =	swait.ge [sflag:s28], $0x4000  }
0x1e: {  	[sflag:s28] =	ssyncset.done $0x0  }
0x1f: {  	[sflag:s28] =	ssyncadd.s32 $0xFFFFC000  }
.LBB2_1:
0x20: {  	s0 =	rddreg [dreg:$0x4]  }
0x21: {  	[tilespmem:s4], [sflag:$0xB] =	stream.linear.gather [hbm4b:s0+s4], $0x1900, $0x38;
	[tilespmem:$0x15C00] =	vst v63  }
0x22: {  	_ =	swait.ge [sflag:s10], $0x1900  }
0x23: {  	[sflag:s10] =	ssyncset.done $0x0  }
0x24: {  	[sflag:s10] =	ssyncadd.s32 $0xFFFFE700  }
0x25: {  	[tilespmem:s12], [sflag:$0x1] =	stream.indirect.gather [hbm4b:s1+s11], $0x80, s4, s11, $0xb8;
	[tilespmem:$0x15C00] =	vst v63  }
0x26: {  	_ = 	snop  }
0x27: {  	[tilespmem:s13], [sflag:$0x2] =	stream.indirect.gather [hbm4b:s1+s11], $0x80, s11, s11, $0xb8;
	[tilespmem:$0x15C00] =	vst v63  }
0x28: {  	s14 =	simm.s32 $0x100;
	s31 =	simm.s32 $0x0;
	s30 =	rddreg [dreg:$0x2]  }
0x29: {  	[tilespmem:s15], [sflag:$0x3] =	stream.indirect.gather [hbm4b:s1+s11], $0x80, s14, s11, $0xb8;
	[tilespmem:$0x15C00] =	vst v63  }
.LBB2_2:
0x2a: {  	_ =	swait.ge [sflag:s16], $0x4000  }
0x2b: {  	p0 =	seq.s32 s31, $0x0;
	[sflag:s16] =	ssyncset.done $0x0  }
0x2c: {  	s0 =	sadd.s32 s30, s7;
	s3 =	simm.s32 @!p0 $0x9;
	[sflag:s16] =	ssyncadd.s32 $0xFFFFC000  }
0x2d: {  	[hbm4b:s0+s4] =	stream.linear.scatter [tilespmem:s12], [sflag:$0x6], $0x4000, $0x38;
	[tilespmem:$0x15C00] =	vst v63  }
0x2e: {  	_ =	swait.ge @!p0 [sflag:s3], $0x4000  }
0x2f: {  	s2 =	sshra.s32 s31, $0x2;
	[sflag:s3] =	ssyncset.done @!p0 $0x0  }
0x30: {  	s14 =	sadd.s32 $0x180, s2;
	[sflag:s3] =	ssyncadd.s32 @!p0 $0xFFFFC000  }
0x31: {  	[tilespmem:s17], [sflag:$0x4] =	stream.indirect.gather [hbm4b:s1+s11], $0x80, s14, s11, $0xb8;
	[tilespmem:$0x15C00] =	vst v63  }
0x32: {  	_ =	swait.ge [sflag:s18], $0x4000  }
0x33: {  	[sflag:s18] =	ssyncset.done $0x0  }
0x34: {  	s5 =	sadd.s32 $0x800, s0;
	s3 =	simm.s32 @!p0 $0xA;
	[sflag:s18] =	ssyncadd.s32 $0xFFFFC000  }
0x35: {  	[hbm4b:s5+s4] =	stream.linear.scatter [tilespmem:s13], [sflag:$0x7], $0x4000, $0x38;
	[tilespmem:$0x15C00] =	vst v63  }
0x36: {  	_ =	swait.ge @!p0 [sflag:s3], $0x4000  }
0x37: {  	[sflag:s3] =	ssyncset.done @!p0 $0x0  }
0x38: {  	s14 =	sadd.s32 $0x200, s2;
	[sflag:s3] =	ssyncadd.s32 @!p0 $0xFFFFC000  }
0x39: {  	[tilespmem:s19], [sflag:$0x5] =	stream.indirect.gather [hbm4b:s1+s11], $0x80, s14, s11, $0xb8;
	[tilespmem:$0x15C00] =	vst v63  }
0x3a: {  	_ =	swait.ge [sflag:s20], $0x4000  }
0x3b: {  	[sflag:s20] =	ssyncset.done $0x0  }
0x3c: {  	s0 =	sadd.s32 $0x1000, s0;
	p0 =	seq.s32 s31, $0x5A00;
	[sflag:s20] =	ssyncadd.s32 $0xFFFFC000  }
0x3d: {  	[hbm4b:s0+s4] =	stream.linear.scatter [tilespmem:s15], [sflag:$0x8], $0x4000, $0x38;
	[tilespmem:$0x15C00] =	vst v63  }
0x3e: {  	s0 =	simm.s32 @!p0 $0x6  }
0x3f: {  	_ =	swait.ge @!p0 [sflag:s0], $0x4000  }
0x40: {  	[sflag:s0] =	ssyncset.done @!p0 $0x0  }
0x41: {  	[sflag:s0] =	ssyncadd.s32 @!p0 $0xFFFFC000;
	s0 =	sshra.s32 @!p0 s31, $0x2  }
0x42: {  	s14 =	simm.s32 @!p0 $0x80;
	s5 =	simm.s32 @!p0 $0x1C00;
	s3 =	sadd.s32 @!p0 $0x280, s0  }
0x43: {  	[tilespmem:s5], [sflag:$0x1] =	stream.indirect.gather @!p0 [hbm4b:s1+s14], $0x80, s3, s14, $0xb8;
	[tilespmem:$0x15C00] =	vst v63  }
0x44: {  	_ =	swait.ge [sflag:s21], $0x4000  }
0x45: {  	[sflag:s21] =	ssyncset.done $0x0  }
0x46: {  	s5 =	sadd.s32 s30, s9;
	s3 =	simm.s32 @!p0 $0x7;
	[sflag:s21] =	ssyncadd.s32 $0xFFFFC000  }
0x47: {  	[hbm4b:s5+s4] =	stream.linear.scatter [tilespmem:s17], [sflag:$0x9], $0x4000, $0x38;
	[tilespmem:$0x15C00] =	vst v63  }
0x48: {  	_ =	swait.ge @!p0 [sflag:s3], $0x4000  }
0x49: {  	[sflag:s3] =	ssyncset.done @!p0 $0x0  }
0x4a: {  	s0 =	sadd.s32 @!p0 $0x300, s0;
	[sflag:s3] =	ssyncadd.s32 @!p0 $0xFFFFC000;
	s3 =	simm.s32 @!p0 $0x5C00  }
0x4b: {  	[tilespmem:s3], [sflag:$0x2] =	stream.indirect.gather @!p0 [hbm4b:s1+s14], $0x80, s0, s14, $0xb8;
	[tilespmem:$0x15C00] =	vst v63  }
.Ltmp2:
0x4c: {  	_ = 	snop;
	(pc) =	sbr.rel @p0 .LBB2_4-.Ltmp2, $4  }
0x4d: {  	_ =	swait.ge [sflag:s22], $0x4000  }
0x4e: {  	[sflag:s22] =	ssyncset.done $0x0  }
0x4f: {  	s14 =	sadd.s32 s30, s8;
	[sflag:s22] =	ssyncadd.s32 $0xFFFFC000  }
0x50: {  	[hbm4b:s14+s4] =	stream.linear.scatter [tilespmem:s19], [sflag:$0xA], $0x4000, $0x38;
	[tilespmem:$0x15C00] =	vst v63  }
.Ltmp3:
0x51: {  	(pc) =	sbr.rel .LBB2_2-.Ltmp3, $4  }
0x52: {  	_ =	swait.ge [sflag:s25], $0x4000  }
0x53: {  	s0 =	sadd.s32 $0x380, s2;
	[sflag:s25] =	ssyncset.done $0x0  }
0x54: {  	s31 =	sadd.s32 $0xA00, s31;
	s30 =	sadd.s32 $0x2800, s30;
	[sflag:s25] =	ssyncadd.s32 $0xFFFFC000  }
0x55: {  	[tilespmem:s15], [sflag:$0x3] =	stream.indirect.gather [hbm4b:s1+s11], $0x80, s0, s11, $0xb8;
	[tilespmem:$0x15C00] =	vst v63  }
.LBB2_5:
0x56: {  	_ =	sfence.sel $0x180000  }
0x57: {  	[bflag:$0x0] =	sbarrier.arrive $0xFFFF  }
0x58: {  	_ =	strace $0x90000047  }
0x59: {  	s0 =	stileid.u32;
	[bflag:$0x2] =	sbarrier.arrive $0xFFFF  }
0x5a: {  	p0 =	sne.s32 s0, $0x0;
	s0 =	rddreg [dreg:$0x3]  }
0x5b: {  	s0 =	sadd.s32 @!p0 $0x100000, s0  }
0x5c: {  	[sflag:s0] =	ssyncadd.tile.s32 @!p0 $0x1;
	_ =	shalt  }
.Lfunc_end2:
_tile_overlayer_lowered:
.L_overlay_start_2:
0x5d: {  	(tag) =	ssettag $0x2  }
0x5e: {  	s0 =	rddreg [dreg:$0x0];
	s2 =	stileid.u32  }
0x5f: {  	s1 =	rddreg [dreg:$0x1];
	p0 =	sne.s32 s2, $0x0  }
0x60: {  	s3 =	rddreg [dreg:$0x2];
	[bflag:$0x3] =	sbarrier.arrive $0xFFFF;
	s2 =	simm.s32 @!p0 $0x1C0B  }
0x61: {  	[timem:s3], [sflag:s2] =	dma.local @!p0 [hbm:s0], s1  }
0x62: {  	s0 =	simm.s32 @!p0 $0xB  }
0x63: {  	_ =	swait.ge @!p0 [sflag:s0], s1  }
0x64: {  	s1 =	ssub.s32 @!p0 $0x0, s1;
	[sflag:s0] =	ssyncset.done @!p0 $0x0  }
0x65: {  	[sflag:s0] =	ssyncadd.s32 @!p0 s1  }
0x66: {  	[bflag:$0x3] =	sbarrier.arrive $0xFFFF  }
0x67: {  	_ =	shalt  }

</sc_bundles>
